<compile_context>
chip_gen: v7x
topology: tpu7x:2x2x1
jax: 0.10.2.dev20260603
libtpu: 0.0.44.dev20260713+nightly
codegen_flags: <defaults>
</compile_context>

<pallas_src>
import functools

import jax
import jax.numpy as jnp
from jax import lax
from jax.experimental import pallas as pl
from jax.experimental.pallas import tpu as pltpu
from jax.experimental.pallas import tpu_sc as plsc

jax.config.update("jax_default_matmul_precision", "float32")

_EN = 8192
_ED = 64
_BM = 512

_NC = 2
_NS = 16
_NW = _NC * _NS
_CHUNK = 128


def _bf(v):
    return v.astype(jnp.bfloat16).astype(jnp.float32)


def _tree_row_sum(s):
    w = s.shape[1]
    while w > 1:
        w //= 2
        s = s[:, :w] + s[:, w:]
    return s


_THETA = 1e-3
_NREF = 1024


def _split3(v):
    h = _bf(v)
    m = _bf(v - h)
    r = _bf(v - h - m)
    return h, m, r


_DN = (((1,), (0,)), ((), ()))


def _dot(a, b):
    return lax.dot_general(a, b, _DN, precision=lax.Precision.DEFAULT,
                           preferred_element_type=jnp.float32)


def _argmin_cols(dis):
    m = jnp.min(dis, axis=1, keepdims=True)
    col = lax.broadcasted_iota(jnp.int32, dis.shape, 1)
    idx = jnp.min(jnp.where(dis == m, col, jnp.int32(2**31 - 1)),
                  axis=1, keepdims=True)
    return m, idx


def _vq_coarse_body(z_ref, et_ref, idx_ref, amb_ref, dsum_ref, isum_ref):
    z = z_ref[...]
    et = et_ref[...]
    z2 = _tree_row_sum(z * z)
    e2 = jnp.sum(et * et, axis=0, keepdims=True)
    zh, zm, _ = _split3(z)
    eh, em, _ = _split3(et)
    mm3 = _dot(zh, eh) + (_dot(zh, em) + _dot(zm, eh))
    dis3 = (z2 + e2) - 2.0 * mm3
    m3, idx3 = _argmin_cols(dis3)
    idx_ref[...] = idx3
    amb_ref[...] = jnp.sum(jnp.where(dis3 < m3 + _THETA, 1, 0),
                           axis=1, keepdims=True)
    dsum_ref[...] = jnp.sum(m3, keepdims=True).reshape(1, 1, 1)
    isum_ref[...] = jnp.sum(idx3.astype(jnp.float32),
                            keepdims=True).reshape(1, 1, 1)


def _vq_exact_body(z_ref, et_ref, idx_ref):
    z = z_ref[...]
    et = et_ref[...]
    z2 = _tree_row_sum(z * z)
    e2 = jnp.sum(et * et, axis=0, keepdims=True)
    zh, zm, zr = _split3(z)
    eh, em, er = _split3(et)
    mm = ((_dot(zh, eh) + (_dot(zh, em) + _dot(zm, eh)))
          + ((_dot(zh, er) + _dot(zr, eh)) + _dot(zm, em)))
    dis = (z2 + e2) - 2.0 * mm
    _, idx = _argmin_cols(dis)
    idx_ref[...] = idx


def _argmin_distances(z, et):
    m_total = z.shape[0]
    return pl.pallas_call(
        _vq_coarse_body,
        grid=(m_total // _BM,),
        in_specs=[
            pl.BlockSpec((_BM, _ED), lambda i: (i, 0)),
            pl.BlockSpec((_ED, _EN), lambda i: (0, 0)),
        ],
        out_specs=[
            pl.BlockSpec((_BM, 1), lambda i: (i, 0)),
            pl.BlockSpec((_BM, 1), lambda i: (i, 0)),
            pl.BlockSpec((1, 1, 1), lambda i: (i, 0, 0)),
            pl.BlockSpec((1, 1, 1), lambda i: (i, 0, 0)),
        ],
        out_shape=[
            jax.ShapeDtypeStruct((m_total, 1), jnp.int32),
            jax.ShapeDtypeStruct((m_total, 1), jnp.int32),
            jax.ShapeDtypeStruct((m_total // _BM, 1, 1), jnp.float32),
            jax.ShapeDtypeStruct((m_total // _BM, 1, 1), jnp.float32),
        ],
    )(z, et)


def _refine_ambiguous(zref_rows, et):
    return pl.pallas_call(
        _vq_exact_body,
        grid=(_NREF // _BM,),
        in_specs=[
            pl.BlockSpec((_BM, _ED), lambda i: (i, 0)),
            pl.BlockSpec((_ED, _EN), lambda i: (0, 0)),
        ],
        out_specs=pl.BlockSpec((_BM, 1), lambda i: (i, 0)),
        out_shape=jax.ShapeDtypeStruct((_NREF, 1), jnp.int32),
    )(zref_rows, et)


def _make_sc_gather(b_total):
    b_per_w = b_total // _NW
    n_chunks = b_per_w // _CHUNK
    mesh = plsc.VectorSubcoreMesh(core_axis_name="c", subcore_axis_name="s")

    @functools.partial(
        pl.kernel,
        mesh=mesh,
        compiler_params=pltpu.CompilerParams(use_tc_tiling_on_sc=False),
        out_type=jax.ShapeDtypeStruct((b_total, _ED), jnp.float32),
        scratch_types=[
            pltpu.VMEM((n_chunks, _CHUNK), jnp.int32),
            pltpu.VMEM((b_per_w, _ED), jnp.float32),
            pltpu.SemaphoreType.DMA,
        ],
    )
    def gather_k(table_hbm, idx_hbm, out_hbm, idx_v, rows_v, sem):
        wid = lax.axis_index("s") * _NC + lax.axis_index("c")
        pltpu.sync_copy(idx_hbm.at[wid], idx_v)
        copies = []
        for j in range(n_chunks):
            copies.append(pltpu.async_copy(
                table_hbm.at[idx_v.at[j]],
                rows_v.at[pl.ds(j * _CHUNK, _CHUNK)],
                sem))
        for c in copies:
            c.wait()
        pltpu.sync_copy(rows_v, out_hbm.at[pl.ds(wid * b_per_w, b_per_w)])

    return gather_k


def kernel(x, embedding):
    m_total = x.shape[0] * x.shape[1]
    z = x.reshape(m_total, _ED)
    et = embedding.T
    idx2d, amb2d, dsum, isum = _argmin_distances(z, et)
    idx3 = idx2d.reshape(m_total)
    amb_score = (amb2d.reshape(m_total) >= 2).astype(jnp.float32)
    ref_ids = lax.top_k(amb_score, _NREF)[1]
    idx_ref_rows = _refine_ambiguous(z[ref_ids], et).reshape(_NREF)
    idx = idx3.at[ref_ids].set(idx_ref_rows)

    idx3 = idx.reshape(_NW, m_total // _NW // _CHUNK, _CHUNK)
    zq = _make_sc_gather(m_total)(embedding, idx3)
    z_q = zq.reshape(x.shape)

    denom = jnp.float32(m_total * _ED)
    loss = (1.0 + 0.25) * jnp.sum(dsum) / denom
    e_min = jnp.sum(isum) / jnp.float32(m_total)
    perplexity = jnp.exp(-(e_min * jnp.log(e_min + 1e-10)))
    return (loss, z_q, perplexity, idx)

# --- scband reference (transcript-rebuilt; emitter-appended) ---
"""Pipeline reference for scband-vq-14456859918868 (READ-ONLY COPY).

The authoritative reference and input builder live on the scoring server;
editing this copy changes nothing except your own understanding.
"""

import jax, jax.numpy as jnp
import numpy as np

EMBEDDING_NUM = 8192
EMBEDDING_DIM = 64
BETA = 0.25


def setup_inputs(seed: int = 0) -> dict:
    key = jax.random.key(seed)
    k1, k2 = jax.random.split(key)
    x = jax.random.normal(k1, (32, 1024, EMBEDDING_DIM), dtype=jnp.float32)
    embedding = jax.random.normal(k2, (EMBEDDING_NUM, EMBEDDING_DIM), dtype=jnp.float32) * (1.0 / np.sqrt(EMBEDDING_DIM))
    return {"x": x, "embedding": embedding}


def reference(x, embedding):
    z_fla = jnp.reshape(x, (-1, EMBEDDING_DIM))
    dis = (jnp.sum(z_fla ** 2, axis=1, keepdims=True)
           + jnp.sum(embedding ** 2, axis=1)
           - 2.0 * jnp.matmul(z_fla, embedding.T))
    min_encoding_indices = jnp.argmin(dis, axis=1)
    z_q = jnp.take(embedding, min_encoding_indices, axis=0)
    z_q = jnp.reshape(z_q, x.shape)
    loss = (jnp.mean((jax.lax.stop_gradient(z_q) - x) ** 2)
            + BETA * jnp.mean((z_q - jax.lax.stop_gradient(x)) ** 2))
    z_q = x + jax.lax.stop_gradient(z_q - x)
    e_min = jnp.mean(min_encoding_indices, axis=0)
    _perplexity = jnp.exp(-jnp.sum(e_min * jnp.log(e_min + 1e-10)))
    return (loss, z_q, _perplexity, min_encoding_indices)

if __name__ == "__main__":
    import jax
    _d = setup_inputs()
    print(jax.jit(kernel)(*tuple(_d.values())))

</pallas_src>

<mosaic_0001>
#map = affine_map<(d0, d1) -> (0, 0)>
#map1 = affine_map<(d0, d1) -> (0, 0, 0)>
module attributes {stable_mosaic.version = 14 : i64} {
  func.func @gather_k(%arg0: i32, %arg1: i32, %arg2: memref<8192x64xf32, #tpu.memory_space<hbm>>, %arg3: memref<32x8x128xi32, #tpu.memory_space<hbm>>, %arg4: memref<32768x64xf32, #tpu.memory_space<hbm>>, %arg5: memref<8x128xi32, #tpu.memory_space<vmem>>, %arg6: memref<1024x64xf32, #tpu.memory_space<vmem>>, %arg7: memref<!tpu.dma_semaphore, #tpu.memory_space<semaphore_mem>>) attributes {dimension_semantics = [#tpu.dimension_semantics<core_parallel>, #tpu.dimension_semantics<subcore_parallel>], iteration_bounds = array<i64: 2, 16>, scalar_prefetch = 0 : i64, scratch_operands = 3 : i64, tpu.core_type = #tpu.core_type<sc_vector_subcore>, window_params = [{transform_indices = #map}, {transform_indices = #map1}, {transform_indices = #map}]} {
    %mul3A = arith.constant 2 : i32
    %mul3A_0 = arith.muli %arg1, %mul3A : i32
    %add3A = arith.addi %mul3A_0, %arg0 : i32
    "tpu.region"() ({
      %run_scoped3A = tpu.sem_alloc : memref<!tpu.dma_semaphore, #tpu.memory_space<semaphore_mem>>
      %dma_start3A_161 = arith.constant 0 : i32
      %dma_start3A_162 = arith.constant 0 : i32
      %dma_start3A_163 = tpu.memref_slice %arg3[%add3A, %dma_start3A_161, %dma_start3A_162] : memref<32x8x128xi32, #tpu.memory_space<hbm>> -> memref<1x8x128xi32, #tpu.memory_space<hbm>>
      %dma_start3A_164 = tpu.memref_squeeze %dma_start3A_163 : memref<1x8x128xi32, #tpu.memory_space<hbm>> -> memref<8x128xi32, #tpu.memory_space<hbm>>
      %dma_start3A_165 = arith.constant 0 : i32
      %dma_start3A_166 = arith.constant 0 : i32
      %dma_start3A_167 = tpu.memref_slice %arg3[%add3A, %dma_start3A_165, %dma_start3A_166] : memref<32x8x128xi32, #tpu.memory_space<hbm>> -> memref<1x8x128xi32, #tpu.memory_space<hbm>>
      %dma_start3A_168 = tpu.memref_squeeze %dma_start3A_167 : memref<1x8x128xi32, #tpu.memory_space<hbm>> -> memref<8x128xi32, #tpu.memory_space<hbm>>
      tpu.enqueue_dma source(%dma_start3A_168 : memref<8x128xi32, #tpu.memory_space<hbm>>) target(%arg5 : memref<8x128xi32, #tpu.memory_space<vmem>>) target_semaphore(%run_scoped3A : memref<!tpu.dma_semaphore, #tpu.memory_space<semaphore_mem>>)
      %dma_wait3A_169 = arith.constant 0 : i32
      %dma_wait3A_170 = arith.constant 0 : i32
      %dma_wait3A_171 = tpu.memref_slice %arg3[%add3A, %dma_wait3A_169, %dma_wait3A_170] : memref<32x8x128xi32, #tpu.memory_space<hbm>> -> memref<1x8x128xi32, #tpu.memory_space<hbm>>
      %dma_wait3A_172 = tpu.memref_squeeze %dma_wait3A_171 : memref<1x8x128xi32, #tpu.memory_space<hbm>> -> memref<8x128xi32, #tpu.memory_space<hbm>>
      %dma_wait3A_173 = arith.constant 0 : i32
      %dma_wait3A_174 = arith.constant 0 : i32
      %dma_wait3A_175 = tpu.memref_slice %arg3[%add3A, %dma_wait3A_173, %dma_wait3A_174] : memref<32x8x128xi32, #tpu.memory_space<hbm>> -> memref<1x8x128xi32, #tpu.memory_space<hbm>>
      %dma_wait3A_176 = tpu.memref_squeeze %dma_wait3A_175 : memref<1x8x128xi32, #tpu.memory_space<hbm>> -> memref<8x128xi32, #tpu.memory_space<hbm>>
      tpu.wait_dma2 semaphore(%run_scoped3A : memref<!tpu.dma_semaphore, #tpu.memory_space<semaphore_mem>>) src(%dma_wait3A_176 : memref<8x128xi32, #tpu.memory_space<hbm>>) dst(%arg5 : memref<8x128xi32, #tpu.memory_space<vmem>>)
      tpu.yield
    }) : () -> ()
    %dma_start3A = arith.constant 0 : i32
    %dma_start3A_1 = arith.constant 0 : i32
    %dma_start3A_2 = arith.constant 0 : i32
    %dma_start3A_3 = tpu.memref_slice %arg6[%dma_start3A_1, %dma_start3A_2] : memref<1024x64xf32, #tpu.memory_space<vmem>> -> memref<128x64xf32, #tpu.memory_space<vmem>>
    %dma_start3A_4 = arith.constant 0 : i32
    %dma_start3A_5 = tpu.memref_slice %arg5[%dma_start3A, %dma_start3A_4] : memref<8x128xi32, #tpu.memory_space<vmem>> -> memref<1x128xi32, #tpu.memory_space<vmem>>
    %dma_start3A_6 = tpu.memref_squeeze %dma_start3A_5 : memref<1x128xi32, #tpu.memory_space<vmem>> -> memref<128xi32, #tpu.memory_space<vmem>>
    %dma_start3A_7 = arith.constant 0 : i32
    %dma_start3A_8 = arith.constant 0 : i32
    %dma_start3A_9 = tpu.memref_slice %arg2[%dma_start3A_7, %dma_start3A_8] : memref<8192x64xf32, #tpu.memory_space<hbm>> -> memref<8192x64xf32, #tpu.memory_space<hbm>>
    tpu.enqueue_indirect_dma source(%dma_start3A_9 : memref<8192x64xf32, #tpu.memory_space<hbm>>) target(%dma_start3A_3 : memref<128x64xf32, #tpu.memory_space<vmem>>) offsets(%dma_start3A_6 : memref<128xi32, #tpu.memory_space<vmem>>) semaphore(%arg7 : memref<!tpu.dma_semaphore, #tpu.memory_space<semaphore_mem>>)
    %dma_start3A_10 = arith.constant 1 : i32
    %dma_start3A_11 = arith.constant 128 : i32
    %dma_start3A_12 = arith.constant 0 : i32
    %dma_start3A_13 = tpu.memref_slice %arg6[%dma_start3A_11, %dma_start3A_12] : memref<1024x64xf32, #tpu.memory_space<vmem>> -> memref<128x64xf32, #tpu.memory_space<vmem>>
    %dma_start3A_14 = arith.constant 0 : i32
    %dma_start3A_15 = tpu.memref_slice %arg5[%dma_start3A_10, %dma_start3A_14] : memref<8x128xi32, #tpu.memory_space<vmem>> -> memref<1x128xi32, #tpu.memory_space<vmem>>
    %dma_start3A_16 = tpu.memref_squeeze %dma_start3A_15 : memref<1x128xi32, #tpu.memory_space<vmem>> -> memref<128xi32, #tpu.memory_space<vmem>>
    %dma_start3A_17 = arith.constant 0 : i32
    %dma_start3A_18 = arith.constant 0 : i32
    %dma_start3A_19 = tpu.memref_slice %arg2[%dma_start3A_17, %dma_start3A_18] : memref<8192x64xf32, #tpu.memory_space<hbm>> -> memref<8192x64xf32, #tpu.memory_space<hbm>>
    tpu.enqueue_indirect_dma source(%dma_start3A_19 : memref<8192x64xf32, #tpu.memory_space<hbm>>) target(%dma_start3A_13 : memref<128x64xf32, #tpu.memory_space<vmem>>) offsets(%dma_start3A_16 : memref<128xi32, #tpu.memory_space<vmem>>) semaphore(%arg7 : memref<!tpu.dma_semaphore, #tpu.memory_space<semaphore_mem>>)
    %dma_start3A_20 = arith.constant 2 : i32
    %dma_start3A_21 = arith.constant 256 : i32
    %dma_start3A_22 = arith.constant 0 : i32
    %dma_start3A_23 = tpu.memref_slice %arg6[%dma_start3A_21, %dma_start3A_22] : memref<1024x64xf32, #tpu.memory_space<vmem>> -> memref<128x64xf32, #tpu.memory_space<vmem>>
    %dma_start3A_24 = arith.constant 0 : i32
    %dma_start3A_25 = tpu.memref_slice %arg5[%dma_start3A_20, %dma_start3A_24] : memref<8x128xi32, #tpu.memory_space<vmem>> -> memref<1x128xi32, #tpu.memory_space<vmem>>
    %dma_start3A_26 = tpu.memref_squeeze %dma_start3A_25 : memref<1x128xi32, #tpu.memory_space<vmem>> -> memref<128xi32, #tpu.memory_space<vmem>>
    %dma_start3A_27 = arith.constant 0 : i32
    %dma_start3A_28 = arith.constant 0 : i32
    %dma_start3A_29 = tpu.memref_slice %arg2[%dma_start3A_27, %dma_start3A_28] : memref<8192x64xf32, #tpu.memory_space<hbm>> -> memref<8192x64xf32, #tpu.memory_space<hbm>>
    tpu.enqueue_indirect_dma source(%dma_start3A_29 : memref<8192x64xf32, #tpu.memory_space<hbm>>) target(%dma_start3A_23 : memref<128x64xf32, #tpu.memory_space<vmem>>) offsets(%dma_start3A_26 : memref<128xi32, #tpu.memory_space<vmem>>) semaphore(%arg7 : memref<!tpu.dma_semaphore, #tpu.memory_space<semaphore_mem>>)
    %dma_start3A_30 = arith.constant 3 : i32
    %dma_start3A_31 = arith.constant 384 : i32
    %dma_start3A_32 = arith.constant 0 : i32
    %dma_start3A_33 = tpu.memref_slice %arg6[%dma_start3A_31, %dma_start3A_32] : memref<1024x64xf32, #tpu.memory_space<vmem>> -> memref<128x64xf32, #tpu.memory_space<vmem>>
    %dma_start3A_34 = arith.constant 0 : i32
    %dma_start3A_35 = tpu.memref_slice %arg5[%dma_start3A_30, %dma_start3A_34] : memref<8x128xi32, #tpu.memory_space<vmem>> -> memref<1x128xi32, #tpu.memory_space<vmem>>
    %dma_start3A_36 = tpu.memref_squeeze %dma_start3A_35 : memref<1x128xi32, #tpu.memory_space<vmem>> -> memref<128xi32, #tpu.memory_space<vmem>>
    %dma_start3A_37 = arith.constant 0 : i32
    %dma_start3A_38 = arith.constant 0 : i32
    %dma_start3A_39 = tpu.memref_slice %arg2[%dma_start3A_37, %dma_start3A_38] : memref<8192x64xf32, #tpu.memory_space<hbm>> -> memref<8192x64xf32, #tpu.memory_space<hbm>>
    tpu.enqueue_indirect_dma source(%dma_start3A_39 : memref<8192x64xf32, #tpu.memory_space<hbm>>) target(%dma_start3A_33 : memref<128x64xf32, #tpu.memory_space<vmem>>) offsets(%dma_start3A_36 : memref<128xi32, #tpu.memory_space<vmem>>) semaphore(%arg7 : memref<!tpu.dma_semaphore, #tpu.memory_space<semaphore_mem>>)
    %dma_start3A_40 = arith.constant 4 : i32
    %dma_start3A_41 = arith.constant 512 : i32
    %dma_start3A_42 = arith.constant 0 : i32
    %dma_start3A_43 = tpu.memref_slice %arg6[%dma_start3A_41, %dma_start3A_42] : memref<1024x64xf32, #tpu.memory_space<vmem>> -> memref<128x64xf32, #tpu.memory_space<vmem>>
    %dma_start3A_44 = arith.constant 0 : i32
    %dma_start3A_45 = tpu.memref_slice %arg5[%dma_start3A_40, %dma_start3A_44] : memref<8x128xi32, #tpu.memory_space<vmem>> -> memref<1x128xi32, #tpu.memory_space<vmem>>
    %dma_start3A_46 = tpu.memref_squeeze %dma_start3A_45 : memref<1x128xi32, #tpu.memory_space<vmem>> -> memref<128xi32, #tpu.memory_space<vmem>>
    %dma_start3A_47 = arith.constant 0 : i32
    %dma_start3A_48 = arith.constant 0 : i32
    %dma_start3A_49 = tpu.memref_slice %arg2[%dma_start3A_47, %dma_start3A_48] : memref<8192x64xf32, #tpu.memory_space<hbm>> -> memref<8192x64xf32, #tpu.memory_space<hbm>>
    tpu.enqueue_indirect_dma source(%dma_start3A_49 : memref<8192x64xf32, #tpu.memory_space<hbm>>) target(%dma_start3A_43 : memref<128x64xf32, #tpu.memory_space<vmem>>) offsets(%dma_start3A_46 : memref<128xi32, #tpu.memory_space<vmem>>) semaphore(%arg7 : memref<!tpu.dma_semaphore, #tpu.memory_space<semaphore_mem>>)
    %dma_start3A_50 = arith.constant 5 : i32
    %dma_start3A_51 = arith.constant 640 : i32
    %dma_start3A_52 = arith.constant 0 : i32
    %dma_start3A_53 = tpu.memref_slice %arg6[%dma_start3A_51, %dma_start3A_52] : memref<1024x64xf32, #tpu.memory_space<vmem>> -> memref<128x64xf32, #tpu.memory_space<vmem>>
    %dma_start3A_54 = arith.constant 0 : i32
    %dma_start3A_55 = tpu.memref_slice %arg5[%dma_start3A_50, %dma_start3A_54] : memref<8x128xi32, #tpu.memory_space<vmem>> -> memref<1x128xi32, #tpu.memory_space<vmem>>
    %dma_start3A_56 = tpu.memref_squeeze %dma_start3A_55 : memref<1x128xi32, #tpu.memory_space<vmem>> -> memref<128xi32, #tpu.memory_space<vmem>>
    %dma_start3A_57 = arith.constant 0 : i32
    %dma_start3A_58 = arith.constant 0 : i32
    %dma_start3A_59 = tpu.memref_slice %arg2[%dma_start3A_57, %dma_start3A_58] : memref<8192x64xf32, #tpu.memory_space<hbm>> -> memref<8192x64xf32, #tpu.memory_space<hbm>>
    tpu.enqueue_indirect_dma source(%dma_start3A_59 : memref<8192x64xf32, #tpu.memory_space<hbm>>) target(%dma_start3A_53 : memref<128x64xf32, #tpu.memory_space<vmem>>) offsets(%dma_start3A_56 : memref<128xi32, #tpu.memory_space<vmem>>) semaphore(%arg7 : memref<!tpu.dma_semaphore, #tpu.memory_space<semaphore_mem>>)
    %dma_start3A_60 = arith.constant 6 : i32
    %dma_start3A_61 = arith.constant 768 : i32
    %dma_start3A_62 = arith.constant 0 : i32
    %dma_start3A_63 = tpu.memref_slice %arg6[%dma_start3A_61, %dma_start3A_62] : memref<1024x64xf32, #tpu.memory_space<vmem>> -> memref<128x64xf32, #tpu.memory_space<vmem>>
    %dma_start3A_64 = arith.constant 0 : i32
    %dma_start3A_65 = tpu.memref_slice %arg5[%dma_start3A_60, %dma_start3A_64] : memref<8x128xi32, #tpu.memory_space<vmem>> -> memref<1x128xi32, #tpu.memory_space<vmem>>
    %dma_start3A_66 = tpu.memref_squeeze %dma_start3A_65 : memref<1x128xi32, #tpu.memory_space<vmem>> -> memref<128xi32, #tpu.memory_space<vmem>>
    %dma_start3A_67 = arith.constant 0 : i32
    %dma_start3A_68 = arith.constant 0 : i32
    %dma_start3A_69 = tpu.memref_slice %arg2[%dma_start3A_67, %dma_start3A_68] : memref<8192x64xf32, #tpu.memory_space<hbm>> -> memref<8192x64xf32, #tpu.memory_space<hbm>>
    tpu.enqueue_indirect_dma source(%dma_start3A_69 : memref<8192x64xf32, #tpu.memory_space<hbm>>) target(%dma_start3A_63 : memref<128x64xf32, #tpu.memory_space<vmem>>) offsets(%dma_start3A_66 : memref<128xi32, #tpu.memory_space<vmem>>) semaphore(%arg7 : memref<!tpu.dma_semaphore, #tpu.memory_space<semaphore_mem>>)
    %dma_start3A_70 = arith.constant 7 : i32
    %dma_start3A_71 = arith.constant 896 : i32
    %dma_start3A_72 = arith.constant 0 : i32
    %dma_start3A_73 = tpu.memref_slice %arg6[%dma_start3A_71, %dma_start3A_72] : memref<1024x64xf32, #tpu.memory_space<vmem>> -> memref<128x64xf32, #tpu.memory_space<vmem>>
    %dma_start3A_74 = arith.constant 0 : i32
    %dma_start3A_75 = tpu.memref_slice %arg5[%dma_start3A_70, %dma_start3A_74] : memref<8x128xi32, #tpu.memory_space<vmem>> -> memref<1x128xi32, #tpu.memory_space<vmem>>
    %dma_start3A_76 = tpu.memref_squeeze %dma_start3A_75 : memref<1x128xi32, #tpu.memory_space<vmem>> -> memref<128xi32, #tpu.memory_space<vmem>>
    %dma_start3A_77 = arith.constant 0 : i32
    %dma_start3A_78 = arith.constant 0 : i32
    %dma_start3A_79 = tpu.memref_slice %arg2[%dma_start3A_77, %dma_start3A_78] : memref<8192x64xf32, #tpu.memory_space<hbm>> -> memref<8192x64xf32, #tpu.memory_space<hbm>>
    tpu.enqueue_indirect_dma source(%dma_start3A_79 : memref<8192x64xf32, #tpu.memory_space<hbm>>) target(%dma_start3A_73 : memref<128x64xf32, #tpu.memory_space<vmem>>) offsets(%dma_start3A_76 : memref<128xi32, #tpu.memory_space<vmem>>) semaphore(%arg7 : memref<!tpu.dma_semaphore, #tpu.memory_space<semaphore_mem>>)
    %dma_wait3A = arith.constant 0 : i32
    %dma_wait3A_80 = arith.constant 0 : i32
    %dma_wait3A_81 = arith.constant 0 : i32
    %dma_wait3A_82 = tpu.memref_slice %arg6[%dma_wait3A_80, %dma_wait3A_81] : memref<1024x64xf32, #tpu.memory_space<vmem>> -> memref<128x64xf32, #tpu.memory_space<vmem>>
    %dma_wait3A_83 = arith.constant 0 : i32
    %dma_wait3A_84 = tpu.memref_slice %arg5[%dma_wait3A, %dma_wait3A_83] : memref<8x128xi32, #tpu.memory_space<vmem>> -> memref<1x128xi32, #tpu.memory_space<vmem>>
    %dma_wait3A_85 = tpu.memref_squeeze %dma_wait3A_84 : memref<1x128xi32, #tpu.memory_space<vmem>> -> memref<128xi32, #tpu.memory_space<vmem>>
    %dma_wait3A_86 = arith.constant 0 : i32
    %dma_wait3A_87 = arith.constant 0 : i32
    %dma_wait3A_88 = tpu.memref_slice %arg2[%dma_wait3A_86, %dma_wait3A_87] : memref<8192x64xf32, #tpu.memory_space<hbm>> -> memref<8192x64xf32, #tpu.memory_space<hbm>>
    tpu.wait_indirect_dma semaphore(%arg7 : memref<!tpu.dma_semaphore, #tpu.memory_space<semaphore_mem>>) src(%dma_wait3A_88 : memref<8192x64xf32, #tpu.memory_space<hbm>>) dst(%dma_wait3A_82 : memref<128x64xf32, #tpu.memory_space<vmem>>)
    %dma_wait3A_89 = arith.constant 1 : i32
    %dma_wait3A_90 = arith.constant 128 : i32
    %dma_wait3A_91 = arith.constant 0 : i32
    %dma_wait3A_92 = tpu.memref_slice %arg6[%dma_wait3A_90, %dma_wait3A_91] : memref<1024x64xf32, #tpu.memory_space<vmem>> -> memref<128x64xf32, #tpu.memory_space<vmem>>
    %dma_wait3A_93 = arith.constant 0 : i32
    %dma_wait3A_94 = tpu.memref_slice %arg5[%dma_wait3A_89, %dma_wait3A_93] : memref<8x128xi32, #tpu.memory_space<vmem>> -> memref<1x128xi32, #tpu.memory_space<vmem>>
    %dma_wait3A_95 = tpu.memref_squeeze %dma_wait3A_94 : memref<1x128xi32, #tpu.memory_space<vmem>> -> memref<128xi32, #tpu.memory_space<vmem>>
    %dma_wait3A_96 = arith.constant 0 : i32
    %dma_wait3A_97 = arith.constant 0 : i32
    %dma_wait3A_98 = tpu.memref_slice %arg2[%dma_wait3A_96, %dma_wait3A_97] : memref<8192x64xf32, #tpu.memory_space<hbm>> -> memref<8192x64xf32, #tpu.memory_space<hbm>>
    tpu.wait_indirect_dma semaphore(%arg7 : memref<!tpu.dma_semaphore, #tpu.memory_space<semaphore_mem>>) src(%dma_wait3A_98 : memref<8192x64xf32, #tpu.memory_space<hbm>>) dst(%dma_wait3A_92 : memref<128x64xf32, #tpu.memory_space<vmem>>)
    %dma_wait3A_99 = arith.constant 2 : i32
    %dma_wait3A_100 = arith.constant 256 : i32
    %dma_wait3A_101 = arith.constant 0 : i32
    %dma_wait3A_102 = tpu.memref_slice %arg6[%dma_wait3A_100, %dma_wait3A_101] : memref<1024x64xf32, #tpu.memory_space<vmem>> -> memref<128x64xf32, #tpu.memory_space<vmem>>
    %dma_wait3A_103 = arith.constant 0 : i32
    %dma_wait3A_104 = tpu.memref_slice %arg5[%dma_wait3A_99, %dma_wait3A_103] : memref<8x128xi32, #tpu.memory_space<vmem>> -> memref<1x128xi32, #tpu.memory_space<vmem>>
    %dma_wait3A_105 = tpu.memref_squeeze %dma_wait3A_104 : memref<1x128xi32, #tpu.memory_space<vmem>> -> memref<128xi32, #tpu.memory_space<vmem>>
    %dma_wait3A_106 = arith.constant 0 : i32
    %dma_wait3A_107 = arith.constant 0 : i32
    %dma_wait3A_108 = tpu.memref_slice %arg2[%dma_wait3A_106, %dma_wait3A_107] : memref<8192x64xf32, #tpu.memory_space<hbm>> -> memref<8192x64xf32, #tpu.memory_space<hbm>>
    tpu.wait_indirect_dma semaphore(%arg7 : memref<!tpu.dma_semaphore, #tpu.memory_space<semaphore_mem>>) src(%dma_wait3A_108 : memref<8192x64xf32, #tpu.memory_space<hbm>>) dst(%dma_wait3A_102 : memref<128x64xf32, #tpu.memory_space<vmem>>)
    %dma_wait3A_109 = arith.constant 3 : i32
    %dma_wait3A_110 = arith.constant 384 : i32
    %dma_wait3A_111 = arith.constant 0 : i32
    %dma_wait3A_112 = tpu.memref_slice %arg6[%dma_wait3A_110, %dma_wait3A_111] : memref<1024x64xf32, #tpu.memory_space<vmem>> -> memref<128x64xf32, #tpu.memory_space<vmem>>
    %dma_wait3A_113 = arith.constant 0 : i32
    %dma_wait3A_114 = tpu.memref_slice %arg5[%dma_wait3A_109, %dma_wait3A_113] : memref<8x128xi32, #tpu.memory_space<vmem>> -> memref<1x128xi32, #tpu.memory_space<vmem>>
    %dma_wait3A_115 = tpu.memref_squeeze %dma_wait3A_114 : memref<1x128xi32, #tpu.memory_space<vmem>> -> memref<128xi32, #tpu.memory_space<vmem>>
    %dma_wait3A_116 = arith.constant 0 : i32
    %dma_wait3A_117 = arith.constant 0 : i32
    %dma_wait3A_118 = tpu.memref_slice %arg2[%dma_wait3A_116, %dma_wait3A_117] : memref<8192x64xf32, #tpu.memory_space<hbm>> -> memref<8192x64xf32, #tpu.memory_space<hbm>>
    tpu.wait_indirect_dma semaphore(%arg7 : memref<!tpu.dma_semaphore, #tpu.memory_space<semaphore_mem>>) src(%dma_wait3A_118 : memref<8192x64xf32, #tpu.memory_space<hbm>>) dst(%dma_wait3A_112 : memref<128x64xf32, #tpu.memory_space<vmem>>)
    %dma_wait3A_119 = arith.constant 4 : i32
    %dma_wait3A_120 = arith.constant 512 : i32
    %dma_wait3A_121 = arith.constant 0 : i32
    %dma_wait3A_122 = tpu.memref_slice %arg6[%dma_wait3A_120, %dma_wait3A_121] : memref<1024x64xf32, #tpu.memory_space<vmem>> -> memref<128x64xf32, #tpu.memory_space<vmem>>
    %dma_wait3A_123 = arith.constant 0 : i32
    %dma_wait3A_124 = tpu.memref_slice %arg5[%dma_wait3A_119, %dma_wait3A_123] : memref<8x128xi32, #tpu.memory_space<vmem>> -> memref<1x128xi32, #tpu.memory_space<vmem>>
    %dma_wait3A_125 = tpu.memref_squeeze %dma_wait3A_124 : memref<1x128xi32, #tpu.memory_space<vmem>> -> memref<128xi32, #tpu.memory_space<vmem>>
    %dma_wait3A_126 = arith.constant 0 : i32
    %dma_wait3A_127 = arith.constant 0 : i32
    %dma_wait3A_128 = tpu.memref_slice %arg2[%dma_wait3A_126, %dma_wait3A_127] : memref<8192x64xf32, #tpu.memory_space<hbm>> -> memref<8192x64xf32, #tpu.memory_space<hbm>>
    tpu.wait_indirect_dma semaphore(%arg7 : memref<!tpu.dma_semaphore, #tpu.memory_space<semaphore_mem>>) src(%dma_wait3A_128 : memref<8192x64xf32, #tpu.memory_space<hbm>>) dst(%dma_wait3A_122 : memref<128x64xf32, #tpu.memory_space<vmem>>)
    %dma_wait3A_129 = arith.constant 5 : i32
    %dma_wait3A_130 = arith.constant 640 : i32
    %dma_wait3A_131 = arith.constant 0 : i32
    %dma_wait3A_132 = tpu.memref_slice %arg6[%dma_wait3A_130, %dma_wait3A_131] : memref<1024x64xf32, #tpu.memory_space<vmem>> -> memref<128x64xf32, #tpu.memory_space<vmem>>
    %dma_wait3A_133 = arith.constant 0 : i32
    %dma_wait3A_134 = tpu.memref_slice %arg5[%dma_wait3A_129, %dma_wait3A_133] : memref<8x128xi32, #tpu.memory_space<vmem>> -> memref<1x128xi32, #tpu.memory_space<vmem>>
    %dma_wait3A_135 = tpu.memref_squeeze %dma_wait3A_134 : memref<1x128xi32, #tpu.memory_space<vmem>> -> memref<128xi32, #tpu.memory_space<vmem>>
    %dma_wait3A_136 = arith.constant 0 : i32
    %dma_wait3A_137 = arith.constant 0 : i32
    %dma_wait3A_138 = tpu.memref_slice %arg2[%dma_wait3A_136, %dma_wait3A_137] : memref<8192x64xf32, #tpu.memory_space<hbm>> -> memref<8192x64xf32, #tpu.memory_space<hbm>>
    tpu.wait_indirect_dma semaphore(%arg7 : memref<!tpu.dma_semaphore, #tpu.memory_space<semaphore_mem>>) src(%dma_wait3A_138 : memref<8192x64xf32, #tpu.memory_space<hbm>>) dst(%dma_wait3A_132 : memref<128x64xf32, #tpu.memory_space<vmem>>)
    %dma_wait3A_139 = arith.constant 6 : i32
    %dma_wait3A_140 = arith.constant 768 : i32
    %dma_wait3A_141 = arith.constant 0 : i32
    %dma_wait3A_142 = tpu.memref_slice %arg6[%dma_wait3A_140, %dma_wait3A_141] : memref<1024x64xf32, #tpu.memory_space<vmem>> -> memref<128x64xf32, #tpu.memory_space<vmem>>
    %dma_wait3A_143 = arith.constant 0 : i32
    %dma_wait3A_144 = tpu.memref_slice %arg5[%dma_wait3A_139, %dma_wait3A_143] : memref<8x128xi32, #tpu.memory_space<vmem>> -> memref<1x128xi32, #tpu.memory_space<vmem>>
    %dma_wait3A_145 = tpu.memref_squeeze %dma_wait3A_144 : memref<1x128xi32, #tpu.memory_space<vmem>> -> memref<128xi32, #tpu.memory_space<vmem>>
    %dma_wait3A_146 = arith.constant 0 : i32
    %dma_wait3A_147 = arith.constant 0 : i32
    %dma_wait3A_148 = tpu.memref_slice %arg2[%dma_wait3A_146, %dma_wait3A_147] : memref<8192x64xf32, #tpu.memory_space<hbm>> -> memref<8192x64xf32, #tpu.memory_space<hbm>>
    tpu.wait_indirect_dma semaphore(%arg7 : memref<!tpu.dma_semaphore, #tpu.memory_space<semaphore_mem>>) src(%dma_wait3A_148 : memref<8192x64xf32, #tpu.memory_space<hbm>>) dst(%dma_wait3A_142 : memref<128x64xf32, #tpu.memory_space<vmem>>)
    %dma_wait3A_149 = arith.constant 7 : i32
    %dma_wait3A_150 = arith.constant 896 : i32
    %dma_wait3A_151 = arith.constant 0 : i32
    %dma_wait3A_152 = tpu.memref_slice %arg6[%dma_wait3A_150, %dma_wait3A_151] : memref<1024x64xf32, #tpu.memory_space<vmem>> -> memref<128x64xf32, #tpu.memory_space<vmem>>
    %dma_wait3A_153 = arith.constant 0 : i32
    %dma_wait3A_154 = tpu.memref_slice %arg5[%dma_wait3A_149, %dma_wait3A_153] : memref<8x128xi32, #tpu.memory_space<vmem>> -> memref<1x128xi32, #tpu.memory_space<vmem>>
    %dma_wait3A_155 = tpu.memref_squeeze %dma_wait3A_154 : memref<1x128xi32, #tpu.memory_space<vmem>> -> memref<128xi32, #tpu.memory_space<vmem>>
    %dma_wait3A_156 = arith.constant 0 : i32
    %dma_wait3A_157 = arith.constant 0 : i32
    %dma_wait3A_158 = tpu.memref_slice %arg2[%dma_wait3A_156, %dma_wait3A_157] : memref<8192x64xf32, #tpu.memory_space<hbm>> -> memref<8192x64xf32, #tpu.memory_space<hbm>>
    tpu.wait_indirect_dma semaphore(%arg7 : memref<!tpu.dma_semaphore, #tpu.memory_space<semaphore_mem>>) src(%dma_wait3A_158 : memref<8192x64xf32, #tpu.memory_space<hbm>>) dst(%dma_wait3A_152 : memref<128x64xf32, #tpu.memory_space<vmem>>)
    %mul3A_159 = arith.constant 1024 : i32
    %mul3A_160 = arith.muli %add3A, %mul3A_159 : i32
    "tpu.region"() ({
      %run_scoped3A = tpu.sem_alloc : memref<!tpu.dma_semaphore, #tpu.memory_space<semaphore_mem>>
      %dma_start3A_161 = arith.constant 0 : i32
      %dma_start3A_162 = tpu.memref_slice %arg4[%mul3A_160, %dma_start3A_161] : memref<32768x64xf32, #tpu.memory_space<hbm>> -> memref<1024x64xf32, #tpu.memory_space<hbm>>
      %dma_start3A_163 = arith.constant 0 : i32
      %dma_start3A_164 = tpu.memref_slice %arg4[%mul3A_160, %dma_start3A_163] : memref<32768x64xf32, #tpu.memory_space<hbm>> -> memref<1024x64xf32, #tpu.memory_space<hbm>>
      tpu.enqueue_dma source(%arg6 : memref<1024x64xf32, #tpu.memory_space<vmem>>) target(%dma_start3A_164 : memref<1024x64xf32, #tpu.memory_space<hbm>>) target_semaphore(%run_scoped3A : memref<!tpu.dma_semaphore, #tpu.memory_space<semaphore_mem>>)
      %dma_wait3A_165 = arith.constant 0 : i32
      %dma_wait3A_166 = tpu.memref_slice %arg4[%mul3A_160, %dma_wait3A_165] : memref<32768x64xf32, #tpu.memory_space<hbm>> -> memref<1024x64xf32, #tpu.memory_space<hbm>>
      %dma_wait3A_167 = arith.constant 0 : i32
      %dma_wait3A_168 = tpu.memref_slice %arg4[%mul3A_160, %dma_wait3A_167] : memref<32768x64xf32, #tpu.memory_space<hbm>> -> memref<1024x64xf32, #tpu.memory_space<hbm>>
      tpu.wait_dma2 semaphore(%run_scoped3A : memref<!tpu.dma_semaphore, #tpu.memory_space<semaphore_mem>>) src(%arg6 : memref<1024x64xf32, #tpu.memory_space<vmem>>) dst(%dma_wait3A_168 : memref<1024x64xf32, #tpu.memory_space<hbm>>)
      tpu.yield
    }) : () -> ()
    return
  }
}

module attributes {stable_mosaic.version = 14 : i64} {
  func.func @_vq_coarse_body(%arg0: i32, %arg1: memref<512x64xf32, #tpu.memory_space<vmem>>, %arg2: memref<64x8192xf32, #tpu.memory_space<vmem>>, %arg3: memref<512x1xi32, #tpu.memory_space<vmem>>, %arg4: memref<512x1xi32, #tpu.memory_space<vmem>>, %arg5: memref<1x1x1xf32, #tpu.memory_space<vmem>>, %arg6: memref<1x1x1xf32, #tpu.memory_space<vmem>>) attributes {dimension_semantics = [#tpu.dimension_semantics<arbitrary>], iteration_bounds = array<i64: 64>, scalar_prefetch = 0 : i64, scratch_operands = 0 : i64, tpu.core_type = #tpu.core_type<tc>, window_params = [{transform_indices = @transform_0, window_bounds = array<i64: 512, 64>}, {pipeline_mode = #tpu.pipeline_mode<synchronous>, transform_indices = @transform_1, window_bounds = array<i64: 64, 8192>}, {transform_indices = @transform_2, window_bounds = array<i64: 512, 1>}, {transform_indices = @transform_3, window_bounds = array<i64: 512, 1>}, {transform_indices = @transform_4, window_bounds = array<i64: 1, 1, 1>}, {transform_indices = @transform_5, window_bounds = array<i64: 1, 1, 1>}]} {
    %get3A = arith.constant 0 : index
    %get3A_0 = arith.constant 0 : index
    %get3A_1 = vector.load %arg1[%get3A, %get3A_0] : memref<512x64xf32, #tpu.memory_space<vmem>>, vector<512x64xf32>
    %get3A_2 = arith.constant 0 : index
    %get3A_3 = arith.constant 0 : index
    %get3A_4 = vector.load %arg2[%get3A_2, %get3A_3] : memref<64x8192xf32, #tpu.memory_space<vmem>>, vector<64x8192xf32>
    %mul3A = arith.mulf %get3A_1, %get3A_1 : vector<512x64xf32>
    %slice3A = vector.extract_strided_slice %mul3A {offsets = [0, 0], sizes = [512, 32], strides = [1, 1]} : vector<512x64xf32> to vector<512x32xf32>
    %slice3A_5 = vector.extract_strided_slice %mul3A {offsets = [0, 32], sizes = [512, 32], strides = [1, 1]} : vector<512x64xf32> to vector<512x32xf32>
    %add3A = arith.addf %slice3A, %slice3A_5 : vector<512x32xf32>
    %slice3A_6 = vector.extract_strided_slice %add3A {offsets = [0, 0], sizes = [512, 16], strides = [1, 1]} : vector<512x32xf32> to vector<512x16xf32>
    %slice3A_7 = vector.extract_strided_slice %add3A {offsets = [0, 16], sizes = [512, 16], strides = [1, 1]} : vector<512x32xf32> to vector<512x16xf32>
    %add3A_8 = arith.addf %slice3A_6, %slice3A_7 : vector<512x16xf32>
    %slice3A_9 = vector.extract_strided_slice %add3A_8 {offsets = [0, 0], sizes = [512, 8], strides = [1, 1]} : vector<512x16xf32> to vector<512x8xf32>
    %slice3A_10 = vector.extract_strided_slice %add3A_8 {offsets = [0, 8], sizes = [512, 8], strides = [1, 1]} : vector<512x16xf32> to vector<512x8xf32>
    %add3A_11 = arith.addf %slice3A_9, %slice3A_10 : vector<512x8xf32>
    %slice3A_12 = vector.extract_strided_slice %add3A_11 {offsets = [0, 0], sizes = [512, 4], strides = [1, 1]} : vector<512x8xf32> to vector<512x4xf32>
    %slice3A_13 = vector.extract_strided_slice %add3A_11 {offsets = [0, 4], sizes = [512, 4], strides = [1, 1]} : vector<512x8xf32> to vector<512x4xf32>
    %add3A_14 = arith.addf %slice3A_12, %slice3A_13 : vector<512x4xf32>
    %slice3A_15 = vector.extract_strided_slice %add3A_14 {offsets = [0, 0], sizes = [512, 2], strides = [1, 1]} : vector<512x4xf32> to vector<512x2xf32>
    %slice3A_16 = vector.extract_strided_slice %add3A_14 {offsets = [0, 2], sizes = [512, 2], strides = [1, 1]} : vector<512x4xf32> to vector<512x2xf32>
    %add3A_17 = arith.addf %slice3A_15, %slice3A_16 : vector<512x2xf32>
    %slice3A_18 = vector.extract_strided_slice %add3A_17 {offsets = [0, 0], sizes = [512, 1], strides = [1, 1]} : vector<512x2xf32> to vector<512x1xf32>
    %slice3A_19 = vector.extract_strided_slice %add3A_17 {offsets = [0, 1], sizes = [512, 1], strides = [1, 1]} : vector<512x2xf32> to vector<512x1xf32>
    %add3A_20 = arith.addf %slice3A_18, %slice3A_19 : vector<512x1xf32>
    %mul3A_21 = arith.mulf %get3A_4, %get3A_4 : vector<64x8192xf32>
    %reduce_sum3A = arith.constant dense<0.000000e+00> : vector<8192xf32>
    %reduce_sum3A_22 = vector.multi_reduction <add>, %mul3A_21, %reduce_sum3A [0] : vector<64x8192xf32> to vector<8192xf32>
    %broadcast_in_dim3A = vector.shape_cast %reduce_sum3A_22 : vector<8192xf32> to vector<1x8192xf32>
    %convert_element_type3A = arith.truncf %get3A_1 : vector<512x64xf32> to vector<512x64xbf16>
    %convert_element_type3A_23 = arith.extf %convert_element_type3A : vector<512x64xbf16> to vector<512x64xf32>
    %sub3A = arith.subf %get3A_1, %convert_element_type3A_23 : vector<512x64xf32>
    %convert_element_type3A_24 = arith.truncf %sub3A : vector<512x64xf32> to vector<512x64xbf16>
    %convert_element_type3A_25 = arith.extf %convert_element_type3A_24 : vector<512x64xbf16> to vector<512x64xf32>
    %convert_element_type3A_26 = arith.truncf %get3A_4 : vector<64x8192xf32> to vector<64x8192xbf16>
    %convert_element_type3A_27 = arith.extf %convert_element_type3A_26 : vector<64x8192xbf16> to vector<64x8192xf32>
    %sub3A_28 = arith.subf %get3A_4, %convert_element_type3A_27 : vector<64x8192xf32>
    %convert_element_type3A_29 = arith.truncf %sub3A_28 : vector<64x8192xf32> to vector<64x8192xbf16>
    %convert_element_type3A_30 = arith.extf %convert_element_type3A_29 : vector<64x8192xbf16> to vector<64x8192xf32>
    %dot_general3A = arith.constant dense<0.000000e+00> : vector<512x8192xf32>
    %dot_general3A_31 = tpu.matmul %convert_element_type3A_23, %convert_element_type3A_27, %dot_general3A {dimension_numbers = #tpu.dot_dimension_numbers<[1], [0], [0], [1], [0, 0, 1, 1], [], []>, transpose_lhs_hint = false} : vector<512x64xf32>, vector<64x8192xf32>, vector<512x8192xf32> -> vector<512x8192xf32>
    %dot_general3A_32 = arith.constant dense<0.000000e+00> : vector<512x8192xf32>
    %dot_general3A_33 = tpu.matmul %convert_element_type3A_23, %convert_element_type3A_30, %dot_general3A_32 {dimension_numbers = #tpu.dot_dimension_numbers<[1], [0], [0], [1], [0, 0, 1, 1], [], []>, transpose_lhs_hint = false} : vector<512x64xf32>, vector<64x8192xf32>, vector<512x8192xf32> -> vector<512x8192xf32>
    %dot_general3A_34 = arith.constant dense<0.000000e+00> : vector<512x8192xf32>
    %dot_general3A_35 = tpu.matmul %convert_element_type3A_25, %convert_element_type3A_27, %dot_general3A_34 {dimension_numbers = #tpu.dot_dimension_numbers<[1], [0], [0], [1], [0, 0, 1, 1], [], []>, transpose_lhs_hint = false} : vector<512x64xf32>, vector<64x8192xf32>, vector<512x8192xf32> -> vector<512x8192xf32>
    %add3A_36 = arith.addf %dot_general3A_33, %dot_general3A_35 : vector<512x8192xf32>
    %add3A_37 = arith.addf %dot_general3A_31, %add3A_36 : vector<512x8192xf32>
    %add3A_38 = vector.broadcast %add3A_20 : vector<512x1xf32> to vector<512x8192xf32>
    %add3A_39 = vector.broadcast %broadcast_in_dim3A : vector<1x8192xf32> to vector<512x8192xf32>
    %add3A_40 = arith.addf %add3A_38, %add3A_39 : vector<512x8192xf32>
    %mul3A_41 = arith.constant 2.000000e+00 : f32
    %mul3A_42 = vector.broadcast %mul3A_41 : f32 to vector<512x8192xf32>
    %mul3A_43 = arith.mulf %mul3A_42, %add3A_37 : vector<512x8192xf32>
    %sub3A_44 = arith.subf %add3A_40, %mul3A_43 : vector<512x8192xf32>
    %reduce_min3A = arith.constant dense<0x7F800000> : vector<512xf32>
    %reduce_min3A_45 = vector.multi_reduction <minimumf>, %sub3A_44, %reduce_min3A [1] : vector<512x8192xf32> to vector<512xf32>
    %broadcast_in_dim3A_46 = vector.shape_cast %reduce_min3A_45 : vector<512xf32> to vector<512x1xf32>
    %iota3A = tpu.iota {dimensions = array<i32: 1>} : vector<512x8192xi32>
    %eq3A = vector.broadcast %broadcast_in_dim3A_46 : vector<512x1xf32> to vector<512x8192xf32>
    %eq3A_47 = arith.cmpf oeq, %sub3A_44, %eq3A : vector<512x8192xf32>
    %jit3A = arith.constant 2147483647 : i32
    %broadcast_in_dim3A_48 = vector.broadcast %jit3A : i32 to vector<512x8192xi32>
    %select_n3A = arith.select %eq3A_47, %iota3A, %broadcast_in_dim3A_48 : vector<512x8192xi1>, vector<512x8192xi32>
    %reduce_min3A_49 = arith.constant dense<2147483647> : vector<512xi32>
    %reduce_min3A_50 = vector.multi_reduction <minsi>, %select_n3A, %reduce_min3A_49 [1] : vector<512x8192xi32> to vector<512xi32>
    %broadcast_in_dim3A_51 = vector.shape_cast %reduce_min3A_50 : vector<512xi32> to vector<512x1xi32>
    %swap3A = arith.constant 0 : index
    %swap3A_52 = arith.constant 0 : index
    %swap3A_53 = vector.load %arg3[%swap3A, %swap3A_52] : memref<512x1xi32, #tpu.memory_space<vmem>>, vector<512x1xi32>
    tpu.vector_store %arg3[%swap3A, %swap3A_52], %broadcast_in_dim3A_51 {strides = array<i32>} : memref<512x1xi32, #tpu.memory_space<vmem>>, vector<512x1xi32>,
    %add3A_54 = arith.constant 1.000000e-03 : f32
    %add3A_55 = vector.broadcast %add3A_54 : f32 to vector<512x1xf32>
    %add3A_56 = arith.addf %broadcast_in_dim3A_46, %add3A_55 : vector<512x1xf32>
    %lt3A = vector.broadcast %add3A_56 : vector<512x1xf32> to vector<512x8192xf32>
    %lt3A_57 = arith.cmpf olt, %sub3A_44, %lt3A : vector<512x8192xf32>
    %jit3A_58 = arith.constant 1 : i32
    %jit3A_59 = arith.constant 0 : i32
    %broadcast_in_dim3A_60 = vector.broadcast %jit3A_58 : i32 to vector<512x8192xi32>
    %broadcast_in_dim3A_61 = vector.broadcast %jit3A_59 : i32 to vector<512x8192xi32>
    %select_n3A_62 = arith.select %lt3A_57, %broadcast_in_dim3A_60, %broadcast_in_dim3A_61 : vector<512x8192xi1>, vector<512x8192xi32>
    %reduce_sum3A_63 = arith.constant dense<0> : vector<512xi32>
    %reduce_sum3A_64 = vector.multi_reduction <add>, %select_n3A_62, %reduce_sum3A_63 [1] : vector<512x8192xi32> to vector<512xi32>
    %broadcast_in_dim3A_65 = vector.shape_cast %reduce_sum3A_64 : vector<512xi32> to vector<512x1xi32>
    %swap3A_66 = arith.constant 0 : index
    %swap3A_67 = arith.constant 0 : index
    %swap3A_68 = vector.load %arg4[%swap3A_66, %swap3A_67] : memref<512x1xi32, #tpu.memory_space<vmem>>, vector<512x1xi32>
    tpu.vector_store %arg4[%swap3A_66, %swap3A_67], %broadcast_in_dim3A_65 {strides = array<i32>} : memref<512x1xi32, #tpu.memory_space<vmem>>, vector<512x1xi32>,
    %reduce_sum3A_69 = vector.shape_cast %broadcast_in_dim3A_46 : vector<512x1xf32> to vector<1x512x1xf32>
    %reduce_sum3A_70 = arith.constant dense<0.000000e+00> : vector<1xf32>
    %reduce_sum3A_71 = vector.multi_reduction <add>, %reduce_sum3A_69, %reduce_sum3A_70 [1, 2] : vector<1x512x1xf32> to vector<1xf32>
    %reduce_sum3A_72 = vector.shape_cast %reduce_sum3A_71 : vector<1xf32> to vector<1x1x1xf32>
    %reduce_sum3A_73 = vector.extract %reduce_sum3A_72[0, 0, 0] : f32 from vector<1x1x1xf32>
    %broadcast_in_dim3A_74 = vector.broadcast %reduce_sum3A_73 : f32 to vector<1x1xf32>
    %reshape3A = vector.shape_cast %broadcast_in_dim3A_74 : vector<1x1xf32> to vector<1x1x1xf32>
    %swap3A_75 = arith.constant 0 : index
    %swap3A_76 = arith.constant 0 : index
    %swap3A_77 = arith.constant 0 : index
    %swap3A_78 = vector.load %arg5[%swap3A_75, %swap3A_76, %swap3A_77] : memref<1x1x1xf32, #tpu.memory_space<vmem>>, vector<1x1x1xf32>
    tpu.vector_store %arg5[%swap3A_75, %swap3A_76, %swap3A_77], %reshape3A {strides = array<i32>} : memref<1x1x1xf32, #tpu.memory_space<vmem>>, vector<1x1x1xf32>,
    %convert_element_type3A_79 = arith.sitofp %broadcast_in_dim3A_51 : vector<512x1xi32> to vector<512x1xf32>
    %reduce_sum3A_80 = vector.shape_cast %convert_element_type3A_79 : vector<512x1xf32> to vector<1x512x1xf32>
    %reduce_sum3A_81 = arith.constant dense<0.000000e+00> : vector<1xf32>
    %reduce_sum3A_82 = vector.multi_reduction <add>, %reduce_sum3A_80, %reduce_sum3A_81 [1, 2] : vector<1x512x1xf32> to vector<1xf32>
    %reduce_sum3A_83 = vector.shape_cast %reduce_sum3A_82 : vector<1xf32> to vector<1x1x1xf32>
    %reduce_sum3A_84 = vector.extract %reduce_sum3A_83[0, 0, 0] : f32 from vector<1x1x1xf32>
    %broadcast_in_dim3A_85 = vector.broadcast %reduce_sum3A_84 : f32 to vector<1x1xf32>
    %reshape3A_86 = vector.shape_cast %broadcast_in_dim3A_85 : vector<1x1xf32> to vector<1x1x1xf32>
    %swap3A_87 = arith.constant 0 : index
    %swap3A_88 = arith.constant 0 : index
    %swap3A_89 = arith.constant 0 : index
    %swap3A_90 = vector.load %arg6[%swap3A_87, %swap3A_88, %swap3A_89] : memref<1x1x1xf32, #tpu.memory_space<vmem>>, vector<1x1x1xf32>
    tpu.vector_store %arg6[%swap3A_87, %swap3A_88, %swap3A_89], %reshape3A_86 {strides = array<i32>} : memref<1x1x1xf32, #tpu.memory_space<vmem>>, vector<1x1x1xf32>,
    return
  }
  func.func @transform_0(%arg0: i32) -> (i32, i32) {
    %c0_i32 = arith.constant 0 : i32
    %c0_i32_0 = arith.constant 0 : i32
    return %arg0, %c0_i32 : i32, i32
  }
  func.func @transform_1(%arg0: i32) -> (i32, i32) {
    %c0_i32 = arith.constant 0 : i32
    %c0_i32_0 = arith.constant 0 : i32
    %c0_i32_1 = arith.constant 0 : i32
    return %c0_i32, %c0_i32_0 : i32, i32
  }
  func.func @transform_2(%arg0: i32) -> (i32, i32) {
    %c0_i32 = arith.constant 0 : i32
    %c0_i32_0 = arith.constant 0 : i32
    return %arg0, %c0_i32 : i32, i32
  }
  func.func @transform_3(%arg0: i32) -> (i32, i32) {
    %c0_i32 = arith.constant 0 : i32
    %c0_i32_0 = arith.constant 0 : i32
    return %arg0, %c0_i32 : i32, i32
  }
  func.func @transform_4(%arg0: i32) -> (i32, i32, i32) {
    %c0_i32 = arith.constant 0 : i32
    %c0_i32_0 = arith.constant 0 : i32
    %c0_i32_1 = arith.constant 0 : i32
    return %arg0, %c0_i32, %c0_i32_0 : i32, i32, i32
  }
  func.func @transform_5(%arg0: i32) -> (i32, i32, i32) {
    %c0_i32 = arith.constant 0 : i32
    %c0_i32_0 = arith.constant 0 : i32
    %c0_i32_1 = arith.constant 0 : i32
    return %arg0, %c0_i32, %c0_i32_0 : i32, i32, i32
  }
}

module attributes {stable_mosaic.version = 14 : i64} {
  func.func @_vq_exact_body(%arg0: i32, %arg1: memref<512x64xf32, #tpu.memory_space<vmem>>, %arg2: memref<64x8192xf32, #tpu.memory_space<vmem>>, %arg3: memref<512x1xi32, #tpu.memory_space<vmem>>) attributes {dimension_semantics = [#tpu.dimension_semantics<arbitrary>], iteration_bounds = array<i64: 2>, scalar_prefetch = 0 : i64, scratch_operands = 0 : i64, tpu.core_type = #tpu.core_type<tc>, window_params = [{transform_indices = @transform_0, window_bounds = array<i64: 512, 64>}, {pipeline_mode = #tpu.pipeline_mode<synchronous>, transform_indices = @transform_1, window_bounds = array<i64: 64, 8192>}, {transform_indices = @transform_2, window_bounds = array<i64: 512, 1>}]} {
    %get3A = arith.constant 0 : index
    %get3A_0 = arith.constant 0 : index
    %get3A_1 = vector.load %arg1[%get3A, %get3A_0] : memref<512x64xf32, #tpu.memory_space<vmem>>, vector<512x64xf32>
    %get3A_2 = arith.constant 0 : index
    %get3A_3 = arith.constant 0 : index
    %get3A_4 = vector.load %arg2[%get3A_2, %get3A_3] : memref<64x8192xf32, #tpu.memory_space<vmem>>, vector<64x8192xf32>
    %mul3A = arith.mulf %get3A_1, %get3A_1 : vector<512x64xf32>
    %slice3A = vector.extract_strided_slice %mul3A {offsets = [0, 0], sizes = [512, 32], strides = [1, 1]} : vector<512x64xf32> to vector<512x32xf32>
    %slice3A_5 = vector.extract_strided_slice %mul3A {offsets = [0, 32], sizes = [512, 32], strides = [1, 1]} : vector<512x64xf32> to vector<512x32xf32>
    %add3A = arith.addf %slice3A, %slice3A_5 : vector<512x32xf32>
    %slice3A_6 = vector.extract_strided_slice %add3A {offsets = [0, 0], sizes = [512, 16], strides = [1, 1]} : vector<512x32xf32> to vector<512x16xf32>
    %slice3A_7 = vector.extract_strided_slice %add3A {offsets = [0, 16], sizes = [512, 16], strides = [1, 1]} : vector<512x32xf32> to vector<512x16xf32>
    %add3A_8 = arith.addf %slice3A_6, %slice3A_7 : vector<512x16xf32>
    %slice3A_9 = vector.extract_strided_slice %add3A_8 {offsets = [0, 0], sizes = [512, 8], strides = [1, 1]} : vector<512x16xf32> to vector<512x8xf32>
    %slice3A_10 = vector.extract_strided_slice %add3A_8 {offsets = [0, 8], sizes = [512, 8], strides = [1, 1]} : vector<512x16xf32> to vector<512x8xf32>
    %add3A_11 = arith.addf %slice3A_9, %slice3A_10 : vector<512x8xf32>
    %slice3A_12 = vector.extract_strided_slice %add3A_11 {offsets = [0, 0], sizes = [512, 4], strides = [1, 1]} : vector<512x8xf32> to vector<512x4xf32>
    %slice3A_13 = vector.extract_strided_slice %add3A_11 {offsets = [0, 4], sizes = [512, 4], strides = [1, 1]} : vector<512x8xf32> to vector<512x4xf32>
    %add3A_14 = arith.addf %slice3A_12, %slice3A_13 : vector<512x4xf32>
    %slice3A_15 = vector.extract_strided_slice %add3A_14 {offsets = [0, 0], sizes = [512, 2], strides = [1, 1]} : vector<512x4xf32> to vector<512x2xf32>
    %slice3A_16 = vector.extract_strided_slice %add3A_14 {offsets = [0, 2], sizes = [512, 2], strides = [1, 1]} : vector<512x4xf32> to vector<512x2xf32>
    %add3A_17 = arith.addf %slice3A_15, %slice3A_16 : vector<512x2xf32>
    %slice3A_18 = vector.extract_strided_slice %add3A_17 {offsets = [0, 0], sizes = [512, 1], strides = [1, 1]} : vector<512x2xf32> to vector<512x1xf32>
    %slice3A_19 = vector.extract_strided_slice %add3A_17 {offsets = [0, 1], sizes = [512, 1], strides = [1, 1]} : vector<512x2xf32> to vector<512x1xf32>
    %add3A_20 = arith.addf %slice3A_18, %slice3A_19 : vector<512x1xf32>
    %mul3A_21 = arith.mulf %get3A_4, %get3A_4 : vector<64x8192xf32>
    %reduce_sum3A = arith.constant dense<0.000000e+00> : vector<8192xf32>
    %reduce_sum3A_22 = vector.multi_reduction <add>, %mul3A_21, %reduce_sum3A [0] : vector<64x8192xf32> to vector<8192xf32>
    %broadcast_in_dim3A = vector.shape_cast %reduce_sum3A_22 : vector<8192xf32> to vector<1x8192xf32>
    %convert_element_type3A = arith.truncf %get3A_1 : vector<512x64xf32> to vector<512x64xbf16>
    %convert_element_type3A_23 = arith.extf %convert_element_type3A : vector<512x64xbf16> to vector<512x64xf32>
    %sub3A = arith.subf %get3A_1, %convert_element_type3A_23 : vector<512x64xf32>
    %convert_element_type3A_24 = arith.truncf %sub3A : vector<512x64xf32> to vector<512x64xbf16>
    %convert_element_type3A_25 = arith.extf %convert_element_type3A_24 : vector<512x64xbf16> to vector<512x64xf32>
    %sub3A_26 = arith.subf %get3A_1, %convert_element_type3A_23 : vector<512x64xf32>
    %sub3A_27 = arith.subf %sub3A_26, %convert_element_type3A_25 : vector<512x64xf32>
    %convert_element_type3A_28 = arith.truncf %sub3A_27 : vector<512x64xf32> to vector<512x64xbf16>
    %convert_element_type3A_29 = arith.extf %convert_element_type3A_28 : vector<512x64xbf16> to vector<512x64xf32>
    %convert_element_type3A_30 = arith.truncf %get3A_4 : vector<64x8192xf32> to vector<64x8192xbf16>
    %convert_element_type3A_31 = arith.extf %convert_element_type3A_30 : vector<64x8192xbf16> to vector<64x8192xf32>
    %sub3A_32 = arith.subf %get3A_4, %convert_element_type3A_31 : vector<64x8192xf32>
    %convert_element_type3A_33 = arith.truncf %sub3A_32 : vector<64x8192xf32> to vector<64x8192xbf16>
    %convert_element_type3A_34 = arith.extf %convert_element_type3A_33 : vector<64x8192xbf16> to vector<64x8192xf32>
    %sub3A_35 = arith.subf %get3A_4, %convert_element_type3A_31 : vector<64x8192xf32>
    %sub3A_36 = arith.subf %sub3A_35, %convert_element_type3A_34 : vector<64x8192xf32>
    %convert_element_type3A_37 = arith.truncf %sub3A_36 : vector<64x8192xf32> to vector<64x8192xbf16>
    %convert_element_type3A_38 = arith.extf %convert_element_type3A_37 : vector<64x8192xbf16> to vector<64x8192xf32>
    %dot_general3A = arith.constant dense<0.000000e+00> : vector<512x8192xf32>
    %dot_general3A_39 = tpu.matmul %convert_element_type3A_23, %convert_element_type3A_31, %dot_general3A {dimension_numbers = #tpu.dot_dimension_numbers<[1], [0], [0], [1], [0, 0, 1, 1], [], []>, transpose_lhs_hint = false} : vector<512x64xf32>, vector<64x8192xf32>, vector<512x8192xf32> -> vector<512x8192xf32>
    %dot_general3A_40 = arith.constant dense<0.000000e+00> : vector<512x8192xf32>
    %dot_general3A_41 = tpu.matmul %convert_element_type3A_23, %convert_element_type3A_34, %dot_general3A_40 {dimension_numbers = #tpu.dot_dimension_numbers<[1], [0], [0], [1], [0, 0, 1, 1], [], []>, transpose_lhs_hint = false} : vector<512x64xf32>, vector<64x8192xf32>, vector<512x8192xf32> -> vector<512x8192xf32>
    %dot_general3A_42 = arith.constant dense<0.000000e+00> : vector<512x8192xf32>
    %dot_general3A_43 = tpu.matmul %convert_element_type3A_25, %convert_element_type3A_31, %dot_general3A_42 {dimension_numbers = #tpu.dot_dimension_numbers<[1], [0], [0], [1], [0, 0, 1, 1], [], []>, transpose_lhs_hint = false} : vector<512x64xf32>, vector<64x8192xf32>, vector<512x8192xf32> -> vector<512x8192xf32>
    %add3A_44 = arith.addf %dot_general3A_41, %dot_general3A_43 : vector<512x8192xf32>
    %add3A_45 = arith.addf %dot_general3A_39, %add3A_44 : vector<512x8192xf32>
    %dot_general3A_46 = arith.constant dense<0.000000e+00> : vector<512x8192xf32>
    %dot_general3A_47 = tpu.matmul %convert_element_type3A_23, %convert_element_type3A_38, %dot_general3A_46 {dimension_numbers = #tpu.dot_dimension_numbers<[1], [0], [0], [1], [0, 0, 1, 1], [], []>, transpose_lhs_hint = false} : vector<512x64xf32>, vector<64x8192xf32>, vector<512x8192xf32> -> vector<512x8192xf32>
    %dot_general3A_48 = arith.constant dense<0.000000e+00> : vector<512x8192xf32>
    %dot_general3A_49 = tpu.matmul %convert_element_type3A_29, %convert_element_type3A_31, %dot_general3A_48 {dimension_numbers = #tpu.dot_dimension_numbers<[1], [0], [0], [1], [0, 0, 1, 1], [], []>, transpose_lhs_hint = false} : vector<512x64xf32>, vector<64x8192xf32>, vector<512x8192xf32> -> vector<512x8192xf32>
    %add3A_50 = arith.addf %dot_general3A_47, %dot_general3A_49 : vector<512x8192xf32>
    %dot_general3A_51 = arith.constant dense<0.000000e+00> : vector<512x8192xf32>
    %dot_general3A_52 = tpu.matmul %convert_element_type3A_25, %convert_element_type3A_34, %dot_general3A_51 {dimension_numbers = #tpu.dot_dimension_numbers<[1], [0], [0], [1], [0, 0, 1, 1], [], []>, transpose_lhs_hint = false} : vector<512x64xf32>, vector<64x8192xf32>, vector<512x8192xf32> -> vector<512x8192xf32>
    %add3A_53 = arith.addf %add3A_50, %dot_general3A_52 : vector<512x8192xf32>
    %add3A_54 = arith.addf %add3A_45, %add3A_53 : vector<512x8192xf32>
    %add3A_55 = vector.broadcast %add3A_20 : vector<512x1xf32> to vector<512x8192xf32>
    %add3A_56 = vector.broadcast %broadcast_in_dim3A : vector<1x8192xf32> to vector<512x8192xf32>
    %add3A_57 = arith.addf %add3A_55, %add3A_56 : vector<512x8192xf32>
    %mul3A_58 = arith.constant 2.000000e+00 : f32
    %mul3A_59 = vector.broadcast %mul3A_58 : f32 to vector<512x8192xf32>
    %mul3A_60 = arith.mulf %mul3A_59, %add3A_54 : vector<512x8192xf32>
    %sub3A_61 = arith.subf %add3A_57, %mul3A_60 : vector<512x8192xf32>
    %reduce_min3A = arith.constant dense<0x7F800000> : vector<512xf32>
    %reduce_min3A_62 = vector.multi_reduction <minimumf>, %sub3A_61, %reduce_min3A [1] : vector<512x8192xf32> to vector<512xf32>
    %broadcast_in_dim3A_63 = vector.shape_cast %reduce_min3A_62 : vector<512xf32> to vector<512x1xf32>
    %iota3A = tpu.iota {dimensions = array<i32: 1>} : vector<512x8192xi32>
    %eq3A = vector.broadcast %broadcast_in_dim3A_63 : vector<512x1xf32> to vector<512x8192xf32>
    %eq3A_64 = arith.cmpf oeq, %sub3A_61, %eq3A : vector<512x8192xf32>
    %jit3A = arith.constant 2147483647 : i32
    %broadcast_in_dim3A_65 = vector.broadcast %jit3A : i32 to vector<512x8192xi32>
    %select_n3A = arith.select %eq3A_64, %iota3A, %broadcast_in_dim3A_65 : vector<512x8192xi1>, vector<512x8192xi32>
    %reduce_min3A_66 = arith.constant dense<2147483647> : vector<512xi32>
    %reduce_min3A_67 = vector.multi_reduction <minsi>, %select_n3A, %reduce_min3A_66 [1] : vector<512x8192xi32> to vector<512xi32>
    %broadcast_in_dim3A_68 = vector.shape_cast %reduce_min3A_67 : vector<512xi32> to vector<512x1xi32>
    %swap3A = arith.constant 0 : index
    %swap3A_69 = arith.constant 0 : index
    %swap3A_70 = vector.load %arg3[%swap3A, %swap3A_69] : memref<512x1xi32, #tpu.memory_space<vmem>>, vector<512x1xi32>
    tpu.vector_store %arg3[%swap3A, %swap3A_69], %broadcast_in_dim3A_68 {strides = array<i32>} : memref<512x1xi32, #tpu.memory_space<vmem>>, vector<512x1xi32>,
    return
  }
  func.func @transform_0(%arg0: i32) -> (i32, i32) {
    %c0_i32 = arith.constant 0 : i32
    %c0_i32_0 = arith.constant 0 : i32
    return %arg0, %c0_i32 : i32, i32
  }
  func.func @transform_1(%arg0: i32) -> (i32, i32) {
    %c0_i32 = arith.constant 0 : i32
    %c0_i32_0 = arith.constant 0 : i32
    %c0_i32_1 = arith.constant 0 : i32
    return %c0_i32, %c0_i32_0 : i32, i32
  }
  func.func @transform_2(%arg0: i32) -> (i32, i32) {
    %c0_i32 = arith.constant 0 : i32
    %c0_i32_0 = arith.constant 0 : i32
    return %arg0, %c0_i32 : i32, i32
  }
}

</mosaic_0001>

<sc_bundles>
// kernel: kernel.5.cloned.1.call-start
scs
__scs_entry_jumppad:
0x0: {  	(pc) =	sbr.rel $0x88, $3  }
0x1: {  	(tag) =	ssettag $0x0;
	lr =	simm.s32 $0x1  }
0x2: {  	[smem:$0x3F9F] =	sst lr;
	_ =	strace $0xD0000000  }
0x3: {  	_ = 	snop  }
0x4: {  	_ = 	snop  }
0x5: {  	_ = 	snop  }
0x6: {  	_ = 	snop  }
0x7: {  	_ = 	snop  }
__scs_overlays_trampoline_lowered:
0x8: {  	[smem:$0x3FAE] =	sst s0  }
0x9: {  	[smem:$0x3FAF] =	sst s1  }
0xa: {  	[smem:$0x3FB0] =	sst s2  }
0xb: {  	[smem:$0x3FB1] =	sst s3  }
0xc: {  	[smem:$0x3FB2] =	sst s4  }
0xd: {  	[smem:$0x3FB3] =	sst s5  }
0xe: {  	[smem:$0x3FB4] =	sst s6  }
0xf: {  	[smem:$0x3FB5] =	sst s7  }
0x10: {  	[smem:$0x3FB6] =	sst s8  }
0x11: {  	[smem:$0x3FB7] =	sst s9;
	s0 =	simm.s32 @!p0 $0x0  }
0x12: {  	s1 =	sld [smem:$0x3F9D];
	s0 =	simm.s32 @p0 $0x1  }
0x13: {  	[smem:$0x3FB8] =	sst s0;
	s0 =	simm.s32 @!p1 $0x0  }
0x14: {  	s2 =	sld [smem:$0x3F9C];
	s0 =	simm.s32 @p1 $0x1  }
0x15: {  	[smem:$0x3FB9] =	sst s0;
	s0 =	simm.s32 @!p2 $0x0  }
0x16: {  	s3 =	sld [smem:$0x3FDB];
	s0 =	simm.s32 @p2 $0x1  }
0x17: {  	s4 =	simm.s32 $0x1BF5;
	[smem:$0x3FBB] =	sst s0  }
0x18: {  	s0 =	sld [smem:$0x3F9E];
	_ =	swait.ge [sflag:s4], $0x0  }
0x19: {  	s7 =	sld [smem:$0x3F9F]  }
0x1a: {  	s8 =	sadd.s32 $0xFFFFE003, lr  }
0x1b: {  	s9 =	sadd.s32 $0xFFFFFEF7, lr;
	s5 =	simm.s32 $0xFFFFFFFF;
	p2 =	slt.u32 s8, $0xFFFFF086  }
0x1c: {  	p1 =	slt.u32 s9, $0xF7A;
	s5 =	simm.s32 @!p2 $0x0  }
0x1d: {  	s5 =	simm.s32 @p1 $0x1;
	p0 =	seq.s32 s7, s2  }
0x1e: {  	s7 =	smul.u32 @!p0 $0xF7A, s2;
	p2 =	seq.s32 @!p0 s5, $0x0  }
0x1f: {  	s9 =	smul.u32 $0xF7A, s1;
	s8 =	simm.s32 @!p0 $0x1BF5;
	p2 =	por !p2, p0  }
0x20: {  	[sflag:s8] =	ssyncset.s32 @!p0 $0xFFFFF086;
	s6 =	sadd.s32 @!p0 s3, s7;
	s7 =	simm.s32 @!p0 $0x108  }
0x21: {  	s3 =	sadd.s32 s3, s9;
	s6 =	sadd.s32 @!p0 $0x88, s6;
	s7 =	simm.s32 @p2 $0x1082  }
0x22: {  	[simem:s7], [sflag:s8] =	dma.local @!p0 [hbm:s6], $0xF7A  }
0x23: {  	s9 =	sor.u32 $0xD0000000, s2;
	s6 =	simm.s32 $0x108;
	_ =	swait.ge @!p0 [sflag:s8], $0x0  }
0x24: {  	s3 =	sadd.s32 $0x88, s3;
	s6 =	simm.s32 @!p1 $0x1082;
	[sflag:s4] =	ssyncset.s32 $0xFFFFF086  }
0x25: {  	[simem:s6], [sflag:s4] =	dma.local [hbm:s3], $0xF7A  }
0x26: {  	[smem:$0x3F9F] =	sst s1;
	(tag) =	ssettag s2;
	_ =	strace s9  }
0x27: {  	s1 =	sld [smem:$0x3FAF]  }
0x28: {  	s2 =	sld [smem:$0x3FB0]  }
0x29: {  	s4 =	sld [smem:$0x3FB2]  }
0x2a: {  	p0 =	seq.s32 s5, $0x0;
	s5 =	sld [smem:$0x3FB3]  }
0x2b: {  	s6 =	sld [smem:$0x3FB4]  }
0x2c: {  	s7 =	sld [smem:$0x3FB5]  }
0x2d: {  	s3 =	simm.s32 $0x108;
	s8 =	sld [smem:$0x3FB6]  }
0x2e: {  	s3 =	simm.s32 @!p0 $0x1082;
	s9 =	sld [smem:$0x3FB7]  }
0x2f: {  	lr =	sadd.s32 s0, s3;
	s0 =	sld [smem:$0x3FAE]  }
0x30: {  	s3 =	sld [smem:$0x3FB1]  }
0x31: {  	[smem:$0x3FBA] =	sst s10  }
0x32: {  	s10 =	sld [smem:$0x3FB8];
	_ =	sdelay $0x3  }
0x33: {  	p0 =	seq.s32 s10, $0x1;
	s10 =	sld [smem:$0x3FBA];
	_ =	sdelay $0x3  }
0x34: {  	[smem:$0x3FBA] =	sst s10  }
0x35: {  	s10 =	sld [smem:$0x3FB9];
	_ =	sdelay $0x3  }
0x36: {  	p1 =	seq.s32 s10, $0x1;
	s10 =	sld [smem:$0x3FBA];
	_ =	sdelay $0x3  }
0x37: {  	[smem:$0x3FBA] =	sst s10  }
0x38: {  	s10 =	sld [smem:$0x3FBB]  }
0x39: {  	_ = 	snop;
	(pc) =	sbr.ind lr, $3  }
0x3a: {  	_ = 	snop  }
0x3b: {  	_ = 	snop  }
0x3c: {  	p2 =	seq.s32 s10, $0x1;
	s10 =	sld [smem:$0x3FBA]  }
0x3d: {  	_ =	shalt  }
0x3e: {  	_ =	shalt  }
0x3f: {  	_ =	shalt  }
0x40: {  	_ =	shalt  }
0x41: {  	_ =	shalt  }
0x42: {  	_ =	shalt  }
0x43: {  	_ =	shalt  }
0x44: {  	_ =	shalt  }
0x45: {  	_ =	shalt  }
0x46: {  	_ =	shalt  }
0x47: {  	_ =	shalt  }
0x48: {  	_ =	shalt  }
0x49: {  	_ =	shalt  }
0x4a: {  	_ =	shalt  }
0x4b: {  	_ =	shalt  }
0x4c: {  	_ =	shalt  }
0x4d: {  	_ =	shalt  }
0x4e: {  	_ =	shalt  }
0x4f: {  	_ =	shalt  }
0x50: {  	_ =	shalt  }
0x51: {  	_ =	shalt  }
0x52: {  	_ =	shalt  }
0x53: {  	_ =	shalt  }
0x54: {  	_ =	shalt  }
0x55: {  	_ =	shalt  }
0x56: {  	_ =	shalt  }
0x57: {  	_ =	shalt  }
0x58: {  	_ =	shalt  }
0x59: {  	_ =	shalt  }
0x5a: {  	_ =	shalt  }
0x5b: {  	_ =	shalt  }
0x5c: {  	_ =	shalt  }
0x5d: {  	_ =	shalt  }
0x5e: {  	_ =	shalt  }
0x5f: {  	_ =	shalt  }
0x60: {  	_ =	shalt  }
0x61: {  	_ =	shalt  }
0x62: {  	_ =	shalt  }
0x63: {  	_ =	shalt  }
0x64: {  	_ =	shalt  }
0x65: {  	_ =	shalt  }
0x66: {  	_ =	shalt  }
0x67: {  	_ =	shalt  }
0x68: {  	_ =	shalt  }
0x69: {  	_ =	shalt  }
0x6a: {  	_ =	shalt  }
0x6b: {  	_ =	shalt  }
0x6c: {  	_ =	shalt  }
0x6d: {  	_ =	shalt  }
0x6e: {  	_ =	shalt  }
0x6f: {  	_ =	shalt  }
0x70: {  	_ =	shalt  }
0x71: {  	_ =	shalt  }
0x72: {  	_ =	shalt  }
0x73: {  	_ =	shalt  }
0x74: {  	_ =	shalt  }
0x75: {  	_ =	shalt  }
0x76: {  	_ =	shalt  }
0x77: {  	_ =	shalt  }
0x78: {  	_ =	shalt  }
0x79: {  	_ =	shalt  }
0x7a: {  	_ =	shalt  }
0x7b: {  	_ =	shalt  }
0x7c: {  	_ =	shalt  }
0x7d: {  	_ =	shalt  }
0x7e: {  	_ =	shalt  }
0x7f: {  	_ =	shalt  }
0x80: {  	_ =	shalt  }
0x81: {  	_ =	shalt  }
0x82: {  	_ =	shalt  }
0x83: {  	_ =	shalt  }
0x84: {  	_ =	shalt  }
0x85: {  	_ =	shalt  }
0x86: {  	_ =	shalt  }
0x87: {  	_ =	shalt  }
.Lfunc_end0:
.L_simem_size_0:
called_computation_lowered:
.L_overlay_start_0:
0x88: {  	s2 =	sld [smem:$0x3FD9]  }
0x89: {  	s3 =	sld [smem:$0x3FFE];
	_ =	sdelay $0x1  }
0x8a: {  	s1 =	srdreg.scid  }
0x8b: {  	s0 =	sand.u32 $0x1, s1  }
0x8c: {  	s14 =	sshll.u32 s0, $0xA;
	s2 =	sadd.s32 s3, s2  }
0x8d: {  	s2 =	sadd.s32 s2, s14  }
0x8e: {  	[smem:$0x3FC6] =	sst s2  }
0x8f: {  	_ = 	snop  }
0x90: {  	s2 =	sld [smem:$0x3FD0];
	_ =	sdelay $0x2  }
0x91: {  	s15 =	simm.s32 $0xA;
	s4 =	simm.s32 $0x10  }
0x92: {  	[smem:s4], [sflag:s15] =	dma.local [hbm:s2], $0x1  }
0x93: {  	_ =	swait.eq [sflag:s15], $0x1  }
0x94: {  	[sflag:s15] =	ssyncset.done $0x0  }
0x95: {  	s16 =	sld [smem:$0x11];
	[sflag:s15] =	ssyncadd.s32 $0xFFFFFFFF  }
0x96: {  	s17 =	sld [smem:$0x13];
	(tm) =	ssettm $0x1  }
0x97: {  	s18 =	sld [smem:$0x3FFB];
	_ =	sdelay $0x3  }
0x98: {  	_ =	strace s18  }
0x99: {  	s4 =	sld [smem:$0x3FFC];
	_ =	sdelay $0x3  }
0x9a: {  	_ =	strace s4  }
0x9b: {  	s4 =	sld [smem:$0x3FFD];
	_ =	sdelay $0x3  }
0x9c: {  	_ =	strace s4  }
0x9d: {  	_ =	strace $0x8FFFFFFF  }
0x9e: {  	s19 =	sld [smem:$0x3FDB];
	_ =	sdelay $0x1  }
0x9f: {  	s5 =	simm.s32 $_scs_section_size  }
0xa0: {  	s6 =	simm.s32 $_size__tile_overlayer_lowered;
	s7 =	simm.s32 $_tile_overlayer_lowered  }
0xa1: {  	s22 =	simm.s32 $0x1BFF;
	s21 =	sshll.u32 s7, $0x1;
	s4 =	sadd.s32 s5, s19  }
0xa2: {  	s8 =	simm.s32 $0x0;
	s20 =	sshll.u32 s6, $0x1;
	s6 =	sadd.s32 s21, s4  }
0xa3: {  	[timem:s8], [sflag:s22] =	dma.local [hbm:s6], s20  }
0xa4: {  	_ =	swait.ge [sflag:s22], s20  }
0xa5: {  	s5 =	ssub.s32 $0x0, s20;
	[sflag:s22] =	ssyncset.done $0x0  }
0xa6: {  	[sflag:s22] =	ssyncadd.s32 s5;
	_ =	sdelay $0x1  }
0xa7: {  	s23 =	simm.s32 $0x1B8B  }
0xa8: {  	_ =	swait.ge [sflag:s23], $0x1  }
0xa9: {  	[sflag:s23] =	ssyncset.done $0x0  }
0xaa: {  	s25 =	simm.s32 $0x1B8E;
	s24 =	sld [smem:$0x3FFE];
	[sflag:s23] =	ssyncadd.s32 $0xFFFFFFFF  }
0xab: {  	s26 =	simm.s32 $execute0_lowered;
	[smem:$0x3FD2] =	sst s25  }
0xac: {  	s6 =	sshll.u32 s26, $0x1;
	_ =	strace $0x80000046;
	[dreg:$0x1] =	wrdreg $0xFFFFFFFF  }
0xad: {  	s28 =	simm.s32 $_size_execute0_lowered;
	s4 =	sadd.s32 s4, s6;
	[dreg:$0x0] =	wrdreg $0x0  }
0xae: {  	s6 =	sshll.u32 s28, $0x1;
	[dreg:$0x2] =	wrdreg s4  }
0xaf: {  	[dreg:$0x3] =	wrdreg s6  }
0xb0: {  	[dreg:$0x4] =	wrdreg $0xC0  }
0xb1: {  	_ =	task [dreg:s8], $0x5FFFF  }
0xb2: {  	[dreg:$0x1] =	wrdreg $0xFFFFFFFF  }
0xb3: {  	[dreg:$0x0] =	wrdreg $0x60  }
0xb4: {  	[dreg:$0x2] =	wrdreg s24  }
0xb5: {  	[dreg:$0x3] =	wrdreg s17  }
0xb6: {  	[dreg:$0x4] =	wrdreg s16  }
0xb7: {  	[dreg:$0x5] =	wrdreg $0x9  }
0xb8: {  	_ =	task.clear_ibuf [dreg:s8], $0x6FFFF;
	_ =	strace $0x90000046  }
0xb9: {  	s29 =	simm.s32 $0x9;
	_ =	strace $0x80000048  }
0xba: {  	_ =	swait.ge [sflag:s29], $0x1  }
0xbb: {  	[sflag:s29] =	ssyncadd.s32 $0xFFFFFFFF  }
0xbc: {  	_ =	strace $0x90000048  }
0xbd: {  	_ =	sfence  }
0xbe: {  	s30 =	sld [smem:$0x0];
	_ =	sdelay $0x2  }
0xbf: {  	s31 =	sshll.u32 s1, $0xD;
	s1 =	sshrl.u32 s1, $0x2  }
0xc0: {  	s3 =	sand.u32 $0x4000, s31;
	s1 =	sadd.s32 s1, s30  }
0xc1: {  	s0 =	sor.u32 s3, s0;
	s1 =	sshll.u32 s1, $0x11  }
0xc2: {  	s0 =	sor.u32 s1, s0  }
0xc3: {  	s0 =	sadd.s32 $0x8F2B, s0  }
0xc4: {  	[sflag:s0] =	ssyncadd.remote.s32 $0x1  }
0xc5: {  	_ =	sfence.sel $0xFFFF  }
0xc6: {  	[dreg:$0x0] =	wrdreg $0xFFFFFFFF;
	(pc) =	sbr.abs _section_cstart, $3  }
0xc7: {  	[dreg:$0x1] =	wrdreg $0xFFFFFFFF  }
0xc8: {  	_ =	task.clear_ibuf [dreg:s8], $0x2FFFF;
	_ =	strace $0x9FFFFFFF  }
0xc9: {  	(tm) =	ssettm $0x7FFFFFFF  }
tec
execute0_lowered:
.L_overlay_start_1:
0x0: {  	(tag) =	ssettag $0x1  }
0x1: {  	s1 =	rddreg [dreg:$0x0];
	s2 =	srdreg.scid  }
0x2: {  	s4 =	rddreg [dreg:$0x1];
	s0 =	stileid.u32;
	s23 =	sand.u32 $0x1, s2  }
0x3: {  	s22 =	rddreg [dreg:$0x2];
	s5 =	sshll.u32 s0, $0xB;
	s6 =	sshll.u32 s23, $0xA  }
0x4: {  	s3 =	simm.s32 $0x0;
	s2 =	rddreg [dreg:$0x3];
	s24 =	sor.u32 s6, s5  }
0x5: {  	[smem:$0x7FF] =	sst s3;
	s5 =	sshrl.u32 s24, $0x3  }
0x6: {  	_ =	strace $0x80000047;
	s5 =	sadd.s32 s4, s5;
	s4 =	simm.s32 $0x2  }
0x7: {  	[tilespmem:s3], [sflag:$0x2] =	stream.linear.gather [hbm4b:s5+s3], $0x400, $0x38;
	[tilespmem:$0x10400] =	vst v63  }
0x8: {  	_ =	swait.ge [sflag:s4], $0x400  }
0x9: {  	[sflag:s4] =	ssyncset.done $0x0  }
0xa: {  	s7 =	simm.s32 $0x400;
	s6 =	simm.s32 $0x80;
	[sflag:s4] =	ssyncadd.s32 $0xFFFFFC00  }
0xb: {  	[tilespmem:s7], [sflag:$0x1] =	stream.indirect.gather [hbm4b:s1+s6], $0x40, s3, s6, $0xb8;
	[tilespmem:$0x10400] =	vst v63  }
0xc: {  	s8 =	simm.s32 $0x2400  }
0xd: {  	[tilespmem:s8], [sflag:$0x1] =	stream.indirect.gather [hbm4b:s1+s6], $0x40, s6, s6, $0xb8;
	[tilespmem:$0x10400] =	vst v63  }
0xe: {  	s9 =	simm.s32 $0x100;
	s10 =	simm.s32 $0x4400  }
0xf: {  	[tilespmem:s10], [sflag:$0x1] =	stream.indirect.gather [hbm4b:s1+s6], $0x40, s9, s6, $0xb8;
	[tilespmem:$0x10400] =	vst v63  }
0x10: {  	s11 =	simm.s32 $0x180;
	s12 =	simm.s32 $0x6400  }
0x11: {  	[tilespmem:s12], [sflag:$0x1] =	stream.indirect.gather [hbm4b:s1+s6], $0x40, s11, s6, $0xb8;
	[tilespmem:$0x10400] =	vst v63  }
0x12: {  	s13 =	simm.s32 $0x200;
	s14 =	simm.s32 $0x8400  }
0x13: {  	[tilespmem:s14], [sflag:$0x1] =	stream.indirect.gather [hbm4b:s1+s6], $0x40, s13, s6, $0xb8;
	[tilespmem:$0x10400] =	vst v63  }
0x14: {  	s15 =	simm.s32 $0x280;
	s16 =	simm.s32 $0xA400  }
0x15: {  	[tilespmem:s16], [sflag:$0x1] =	stream.indirect.gather [hbm4b:s1+s6], $0x40, s15, s6, $0xb8;
	[tilespmem:$0x10400] =	vst v63  }
0x16: {  	s17 =	simm.s32 $0x300;
	s18 =	simm.s32 $0xC400  }
0x17: {  	[tilespmem:s18], [sflag:$0x1] =	stream.indirect.gather [hbm4b:s1+s6], $0x40, s17, s6, $0xb8;
	[tilespmem:$0x10400] =	vst v63  }
0x18: {  	s19 =	simm.s32 $0x380;
	s20 =	simm.s32 $0xE400;
	s21 =	simm.s32 $0x1  }
0x19: {  	[tilespmem:s20], [sflag:$0x1] =	stream.indirect.gather [hbm4b:s1+s6], $0x40, s19, s6, $0xb8;
	[tilespmem:$0x10400] =	vst v63  }
0x1a: {  	_ =	swait.ge [sflag:s21], $0x2000  }
0x1b: {  	[sflag:s21] =	ssyncset.done $0x0  }
0x1c: {  	[sflag:s21] =	ssyncadd.s32 $0xFFFFE000  }
0x1d: {  	_ =	swait.ge [sflag:s21], $0x2000  }
0x1e: {  	[sflag:s21] =	ssyncset.done $0x0  }
0x1f: {  	[sflag:s21] =	ssyncadd.s32 $0xFFFFE000  }
0x20: {  	_ =	swait.ge [sflag:s21], $0x2000  }
0x21: {  	[sflag:s21] =	ssyncset.done $0x0  }
0x22: {  	[sflag:s21] =	ssyncadd.s32 $0xFFFFE000  }
0x23: {  	_ =	swait.ge [sflag:s21], $0x2000  }
0x24: {  	[sflag:s21] =	ssyncset.done $0x0  }
0x25: {  	[sflag:s21] =	ssyncadd.s32 $0xFFFFE000  }
0x26: {  	_ =	swait.ge [sflag:s21], $0x2000  }
0x27: {  	[sflag:s21] =	ssyncset.done $0x0  }
0x28: {  	[sflag:s21] =	ssyncadd.s32 $0xFFFFE000  }
0x29: {  	_ =	swait.ge [sflag:s21], $0x2000  }
0x2a: {  	[sflag:s21] =	ssyncset.done $0x0  }
0x2b: {  	s23 =	ssub.s32 $0x2, s23;
	[sflag:s21] =	ssyncadd.s32 $0xFFFFE000  }
0x2c: {  	s25 =	sshrl.u32 s23, $0x1;
	_ =	swait.ge [sflag:s21], $0x2000  }
0x2d: {  	s23 =	ssub.s32 s23, s25;
	[sflag:s21] =	ssyncset.done $0x0  }
0x2e: {  	s23 =	smax.u32 s23, $0x1;
	[sflag:s21] =	ssyncadd.s32 $0xFFFFE000  }
0x2f: {  	p0 =	sne.s32 s23, $0x1;
	_ =	swait.ge [sflag:s21], $0x2000  }
.Ltmp0:
0x30: {  	s24 =	sshll.u32 s24, $0x3;
	[sflag:s21] =	ssyncset.done $0x0;
	(pc) =	sbr.rel @!p0 .LBB2_2-.Ltmp0, $4  }
0x31: {  	s22 =	sadd.s32 s22, s24;
	[sflag:s21] =	ssyncadd.s32 $0xFFFFE000  }
0x32: {  	[hbm4b:s22+s3] =	stream.linear.scatter [tilespmem:s7], [sflag:$0x2], $0x10000, $0x38;
	[tilespmem:$0x10400] =	vst v63  }
0x33: {  	_ =	swait.ge [sflag:s4], $0x10000  }
0x34: {  	s23 =	sadd.s32 $0xFFFFFFFF, s23;
	[sflag:s4] =	ssyncset.done $0x0  }
.LBB2_1:
0x35: {  	p0 =	sne.s32 s23, $0x1;
	s23 =	sadd.s32 $0xFFFFFFFF, s23;
	[sflag:s4] =	ssyncadd.s32 $0xFFFF0000  }
0x36: {  	[tilespmem:s3], [sflag:$0x2] =	stream.linear.gather [hbm4b:s5+s3], $0x400, $0x38;
	[tilespmem:$0x10400] =	vst v63  }
0x37: {  	_ =	swait.ge [sflag:s4], $0x400  }
0x38: {  	[sflag:s4] =	ssyncset.done $0x0  }
0x39: {  	[sflag:s4] =	ssyncadd.s32 $0xFFFFFC00  }
0x3a: {  	[tilespmem:s7], [sflag:$0x1] =	stream.indirect.gather [hbm4b:s1+s6], $0x40, s3, s6, $0xb8;
	[tilespmem:$0x10400] =	vst v63  }
0x3b: {  	_ = 	snop  }
0x3c: {  	[tilespmem:s8], [sflag:$0x1] =	stream.indirect.gather [hbm4b:s1+s6], $0x40, s6, s6, $0xb8;
	[tilespmem:$0x10400] =	vst v63  }
0x3d: {  	_ = 	snop  }
0x3e: {  	[tilespmem:s10], [sflag:$0x1] =	stream.indirect.gather [hbm4b:s1+s6], $0x40, s9, s6, $0xb8;
	[tilespmem:$0x10400] =	vst v63  }
0x3f: {  	_ = 	snop  }
0x40: {  	[tilespmem:s12], [sflag:$0x1] =	stream.indirect.gather [hbm4b:s1+s6], $0x40, s11, s6, $0xb8;
	[tilespmem:$0x10400] =	vst v63  }
0x41: {  	_ = 	snop  }
0x42: {  	[tilespmem:s14], [sflag:$0x1] =	stream.indirect.gather [hbm4b:s1+s6], $0x40, s13, s6, $0xb8;
	[tilespmem:$0x10400] =	vst v63  }
0x43: {  	_ = 	snop  }
0x44: {  	[tilespmem:s16], [sflag:$0x1] =	stream.indirect.gather [hbm4b:s1+s6], $0x40, s15, s6, $0xb8;
	[tilespmem:$0x10400] =	vst v63  }
0x45: {  	_ = 	snop  }
0x46: {  	[tilespmem:s18], [sflag:$0x1] =	stream.indirect.gather [hbm4b:s1+s6], $0x40, s17, s6, $0xb8;
	[tilespmem:$0x10400] =	vst v63  }
0x47: {  	_ = 	snop  }
0x48: {  	[tilespmem:s20], [sflag:$0x1] =	stream.indirect.gather [hbm4b:s1+s6], $0x40, s19, s6, $0xb8;
	[tilespmem:$0x10400] =	vst v63  }
0x49: {  	_ =	swait.ge [sflag:s21], $0x2000  }
0x4a: {  	[sflag:s21] =	ssyncset.done $0x0  }
0x4b: {  	[sflag:s21] =	ssyncadd.s32 $0xFFFFE000  }
0x4c: {  	_ =	swait.ge [sflag:s21], $0x2000  }
0x4d: {  	[sflag:s21] =	ssyncset.done $0x0  }
0x4e: {  	[sflag:s21] =	ssyncadd.s32 $0xFFFFE000  }
0x4f: {  	_ =	swait.ge [sflag:s21], $0x2000  }
0x50: {  	[sflag:s21] =	ssyncset.done $0x0  }
0x51: {  	[sflag:s21] =	ssyncadd.s32 $0xFFFFE000  }
0x52: {  	_ =	swait.ge [sflag:s21], $0x2000  }
0x53: {  	[sflag:s21] =	ssyncset.done $0x0  }
0x54: {  	[sflag:s21] =	ssyncadd.s32 $0xFFFFE000  }
0x55: {  	_ =	swait.ge [sflag:s21], $0x2000  }
0x56: {  	[sflag:s21] =	ssyncset.done $0x0  }
0x57: {  	[sflag:s21] =	ssyncadd.s32 $0xFFFFE000  }
0x58: {  	_ =	swait.ge [sflag:s21], $0x2000  }
0x59: {  	[sflag:s21] =	ssyncset.done $0x0  }
0x5a: {  	[sflag:s21] =	ssyncadd.s32 $0xFFFFE000  }
0x5b: {  	_ =	swait.ge [sflag:s21], $0x2000  }
0x5c: {  	[sflag:s21] =	ssyncset.done $0x0  }
0x5d: {  	[sflag:s21] =	ssyncadd.s32 $0xFFFFE000  }
0x5e: {  	_ =	swait.ge [sflag:s21], $0x2000  }
.Ltmp1:
0x5f: {  	[sflag:s21] =	ssyncset.done $0x0;
	(pc) =	sbr.rel @p0 .LBB2_1-.Ltmp1, $4  }
0x60: {  	[sflag:s21] =	ssyncadd.s32 $0xFFFFE000  }
0x61: {  	[hbm4b:s22+s3] =	stream.linear.scatter [tilespmem:s7], [sflag:$0x2], $0x10000, $0x38;
	[tilespmem:$0x10400] =	vst v63  }
0x62: {  	_ =	swait.ge [sflag:s4], $0x10000  }
0x63: {  	[sflag:s4] =	ssyncset.done $0x0  }
.LBB2_2:
0x64: {  	[sflag:s4] =	ssyncadd.s32 $0xFFFF0000  }
0x65: {  	_ =	sfence.sel $0x180000  }
0x66: {  	[bflag:$0x0] =	sbarrier.arrive $0xFFFF  }
0x67: {  	p0 =	sne.s32 s0, $0x0;
	_ =	strace $0x90000047  }
0x68: {  	s0 =	sadd.s32 @!p0 $0x100000, s2;
	[bflag:$0x2] =	sbarrier.arrive $0xFFFF  }
0x69: {  	[sflag:s0] =	ssyncadd.tile.s32 @!p0 $0x1;
	_ =	shalt  }
.Lfunc_end2:
_tile_overlayer_lowered:
.L_overlay_start_2:
0x6a: {  	(tag) =	ssettag $0x2  }
0x6b: {  	s0 =	rddreg [dreg:$0x0];
	s2 =	stileid.u32  }
0x6c: {  	s1 =	rddreg [dreg:$0x1];
	p0 =	sne.s32 s2, $0x0  }
0x6d: {  	s3 =	rddreg [dreg:$0x2];
	[bflag:$0x3] =	sbarrier.arrive $0xFFFF;
	s2 =	simm.s32 @!p0 $0x1C02  }
0x6e: {  	[timem:s3], [sflag:s2] =	dma.local @!p0 [hbm:s0], s1  }
0x6f: {  	s0 =	simm.s32 @!p0 $0x2  }
0x70: {  	_ =	swait.ge @!p0 [sflag:s0], s1  }
0x71: {  	s1 =	ssub.s32 @!p0 $0x0, s1;
	[sflag:s0] =	ssyncset.done @!p0 $0x0  }
0x72: {  	[sflag:s0] =	ssyncadd.s32 @!p0 s1  }
0x73: {  	[bflag:$0x3] =	sbarrier.arrive $0xFFFF  }
0x74: {  	_ =	shalt  }

</sc_bundles>
